<compile_context>
chip_gen: v7x
topology: tpu7x:2x2x1
jax: 0.10.2.dev20260603
libtpu: 0.0.44.dev20260713+nightly
codegen_flags: <defaults>
</compile_context>

<pallas_src>
import functools

import jax
import jax.numpy as jnp
from jax import lax
from jax.experimental import pallas as pl
from jax.experimental.pallas import tpu as pltpu
from jax.experimental.pallas import tpu_sc as plsc

B, S, D_IN, D_LAT, K = 64, 1024, 256, 64, 1024
N = B * S

T = 2048
G = N // T
HALVES = 2
N_H = N // HALVES
G_H = G // HALVES

NUM_CORES = 2
NUM_SUBCORES = 16
NW = NUM_CORES * NUM_SUBCORES
PER_W = N_H // NW
CHUNK = 128
NCHUNK = PER_W // CHUNK
NPAIR = NCHUNK // 2


def _tc_idx_body(x_ref, w_enc_ref, b_enc_ref, cb_ref, idx_ref):
    x = x_ref[...]
    w = w_enc_ref[...]
    b = b_enc_ref[...]
    cb = cb_ref[...]
    z_e = jnp.dot(x, w, preferred_element_type=jnp.float32) + b
    scores_t = lax.dot_general(cb, z_e, (((1,), (1,)), ((), ())),
                               preferred_element_type=jnp.float32)
    z_sq = lax.dot_general(jnp.ones((1, D_LAT), jnp.float32), z_e * z_e,
                           (((1,), (1,)), ((), ())),
                           precision=lax.Precision.HIGHEST,
                           preferred_element_type=jnp.float32)
    cb_sq = jnp.sum(cb * cb, axis=1, keepdims=True)
    d = (z_sq - 2.0 * scores_t) + cb_sq
    m = jnp.min(d, axis=0, keepdims=True)
    iota = lax.broadcasted_iota(jnp.int32, (K, T), 0)
    idx = jnp.min(jnp.where(d == m, iota, K), axis=0, keepdims=True)
    idx_ref[...] = idx[None]


def _tc_zq_body(x_ref, w_enc_ref, b_enc_ref, cb_ref, idx_ref,
                z_e_ref, z_q_ref):
    x = x_ref[...]
    w = w_enc_ref[...]
    b = b_enc_ref[...]
    cb = cb_ref[...]
    z_e_ref[...] = jnp.dot(x, w, preferred_element_type=jnp.float32) + b
    idx = idx_ref[0]
    iota = lax.broadcasted_iota(jnp.int32, (K, T), 0)
    onehot = jnp.where(iota == idx, 1.0, 0.0)
    z_q_ref[...] = lax.dot_general(onehot, cb, (((0,), (0,)), ((), ())),
                                   preferred_element_type=jnp.float32)


def _cdec_body(cb_ref, w_dec_ref, b_dec_ref, out_ref):
    out_ref[...] = (jnp.dot(cb_ref[...], w_dec_ref[...],
                            preferred_element_type=jnp.float32)
                    + b_dec_ref[...])


def _tc_idx_call(x2, W_enc, b_enc2, codebook, half):
    off = half * G_H
    return pl.pallas_call(
        _tc_idx_body,
        grid=(G_H,),
        in_specs=[
            pl.BlockSpec((T, D_IN), lambda i: (i + off, 0)),
            pl.BlockSpec((D_IN, D_LAT), lambda i: (0, 0)),
            pl.BlockSpec((1, D_LAT), lambda i: (0, 0)),
            pl.BlockSpec((K, D_LAT), lambda i: (0, 0)),
        ],
        out_specs=pl.BlockSpec((1, 1, T), lambda i: (i, 0, 0)),
        out_shape=jax.ShapeDtypeStruct((G_H, 1, T), jnp.int32),
    )(x2, W_enc, b_enc2, codebook)


def _sc_body(half_off, cdec_hbm, idx_hbm, xrec_hbm,
             idx_v, buf_a, buf_b,
             gsem_a, gsem_b, wsem_a, wsem_b):
    wid = lax.axis_index("s") * NUM_CORES + lax.axis_index("c")
    base = half_off + wid * PER_W
    pltpu.sync_copy(idx_hbm.at[pl.ds(wid * PER_W, PER_W)], idx_v)

    def idx_sl(j):
        return idx_v.at[pl.ds(j * CHUNK, CHUNK)]

    def fire_gather(j, buf, gsem):
        pltpu.async_copy(cdec_hbm.at[idx_sl(j)], buf, gsem)

    def drain_gather(j, buf, gsem):
        pltpu.make_async_copy(cdec_hbm.at[idx_sl(j)], buf, gsem).wait()

    def fire_write(j, buf, wsem):
        off = base + j * CHUNK
        pltpu.async_copy(buf, xrec_hbm.at[pl.ds(off, CHUNK)], wsem)

    def drain_write(j, buf, wsem):
        off = base + j * CHUNK
        pltpu.make_async_copy(buf, xrec_hbm.at[pl.ds(off, CHUNK)],
                              wsem).wait()

    fire_gather(0, buf_a, gsem_a)
    fire_gather(1, buf_b, gsem_b)

    def body(p, carry):
        j0 = 2 * p
        drain_gather(j0, buf_a, gsem_a)
        fire_write(j0, buf_a, wsem_a)
        drain_gather(j0 + 1, buf_b, gsem_b)
        fire_write(j0 + 1, buf_b, wsem_b)

        @pl.when(p < NPAIR - 1)
        def _():
            drain_write(j0, buf_a, wsem_a)
            fire_gather(j0 + 2, buf_a, gsem_a)
            drain_write(j0 + 1, buf_b, wsem_b)
            fire_gather(j0 + 3, buf_b, gsem_b)

        return carry

    lax.fori_loop(0, NPAIR, body, 0)
    drain_write(NCHUNK - 2, buf_a, wsem_a)
    drain_write(NCHUNK - 1, buf_b, wsem_b)


_SC_SCRATCH = [
    pltpu.VMEM((PER_W,), jnp.int32),
    pltpu.VMEM((CHUNK, D_IN), jnp.float32),
    pltpu.VMEM((CHUNK, D_IN), jnp.float32),
    pltpu.SemaphoreType.DMA,
    pltpu.SemaphoreType.DMA,
    pltpu.SemaphoreType.DMA,
    pltpu.SemaphoreType.DMA,
]


@functools.cache
def _make_sc_gather_first():
    mesh = plsc.VectorSubcoreMesh(core_axis_name="c", subcore_axis_name="s")

    @functools.partial(
        pl.kernel,
        mesh=mesh,
        out_type=jax.ShapeDtypeStruct((N_H, D_IN), jnp.float32),
        scratch_types=list(_SC_SCRATCH),
    )
    def _sc0(cdec_hbm, idx_hbm, xrec_hbm, *rest):
        _sc_body(0, cdec_hbm, idx_hbm, xrec_hbm, *rest)

    return _sc0


def kernel(x, W_enc, b_enc, W_dec, b_dec, codebook):
    x2 = x.reshape(N, D_IN)
    b_enc2 = b_enc.reshape(1, D_LAT)

    c_dec = pl.pallas_call(
        _cdec_body,
        out_shape=jax.ShapeDtypeStruct((K, D_IN), jnp.float32),
    )(codebook, W_dec, b_dec.reshape(1, D_IN))

    idx0 = _tc_idx_call(x2, W_enc, b_enc2, codebook, 0)
    xr0 = _make_sc_gather_first()(c_dec, idx0.reshape(N_H))
    idx1 = _tc_idx_call(x2, W_enc, b_enc2, codebook, 1)
    xr1 = _make_sc_gather_first()(c_dec, idx1.reshape(N_H))

    idx_all = jnp.concatenate([idx0, idx1], axis=0)

    z_e_flat, z_q_flat = pl.pallas_call(
        _tc_zq_body,
        grid=(G,),
        in_specs=[
            pl.BlockSpec((T, D_IN), lambda i: (i, 0)),
            pl.BlockSpec((D_IN, D_LAT), lambda i: (0, 0)),
            pl.BlockSpec((1, D_LAT), lambda i: (0, 0)),
            pl.BlockSpec((K, D_LAT), lambda i: (0, 0)),
            pl.BlockSpec((1, 1, T), lambda i: (i, 0, 0)),
        ],
        out_specs=[
            pl.BlockSpec((T, D_LAT), lambda i: (i, 0)),
            pl.BlockSpec((T, D_LAT), lambda i: (i, 0)),
        ],
        out_shape=[
            jax.ShapeDtypeStruct((N, D_LAT), jnp.float32),
            jax.ShapeDtypeStruct((N, D_LAT), jnp.float32),
        ],
    )(x2, W_enc, b_enc2, codebook, idx_all)

    x_rec_flat = jnp.concatenate([xr0, xr1], axis=0)

    return (z_e_flat.reshape(B, S, D_LAT),
            z_q_flat.reshape(B, S, D_LAT),
            x_rec_flat.reshape(B, S, D_IN),
            idx_all.reshape(B, S))

# --- scband reference (transcript-rebuilt; emitter-appended) ---
"""Pipeline reference for scband-vqvae-3959959847019 (READ-ONLY COPY).

The authoritative reference and input builder live on the scoring server;
editing this copy changes nothing except your own understanding.
"""

import jax, jax.numpy as jnp
import numpy as np

B, S, D_IN, D_LAT, K = 64, 1024, 256, 64, 1024

def setup_inputs(seed: int = 0) -> dict:
    key = jax.random.key(seed)
    ks = jax.random.split(key, 6)
    x = jax.random.normal(ks[0], (B, S, D_IN), dtype=jnp.float32)
    W_enc = jax.random.normal(ks[1], (D_IN, D_LAT), dtype=jnp.float32) * (1.0 / np.sqrt(D_IN))
    b_enc = jnp.zeros((D_LAT,), dtype=jnp.float32)
    W_dec = jax.random.normal(ks[2], (D_LAT, D_IN), dtype=jnp.float32) * (1.0 / np.sqrt(D_LAT))
    b_dec = jnp.zeros((D_IN,), dtype=jnp.float32)
    codebook = jax.random.normal(ks[3], (K, D_LAT), dtype=jnp.float32)
    return {"x": x, "W_enc": W_enc, "b_enc": b_enc, "W_dec": W_dec, "b_dec": b_dec, "codebook": codebook}

def reference(x, W_enc, b_enc, W_dec, b_dec, codebook):
    # encoder: per-token linear projection -> z_e [B, S, D_LAT]
    z_e = jnp.einsum('bsd,dl->bsl', x, W_enc) + b_enc
    # VectorQuantizer1D: nearest codebook entry by squared L2 distance
    d = (jnp.sum(z_e ** 2, axis=-1, keepdims=True)
         - 2.0 * jnp.einsum('bsl,kl->bsk', z_e, codebook)
         + jnp.sum(codebook ** 2, axis=-1))
    indices = jnp.argmin(d, axis=-1)  # [B, S] int
    z_q = jnp.take(codebook, indices, axis=0)  # gather [B, S, D_LAT]
    # straight-through estimator
    z_q_ste = z_e + jax.lax.stop_gradient(z_q - z_e)
    # decoder: per-token linear projection back to input dim
    x_rec = jnp.einsum('bsl,ld->bsd', z_q_ste, W_dec) + b_dec
    return (z_e, z_q, x_rec, indices)

if __name__ == "__main__":
    import jax
    _d = setup_inputs()
    print(jax.jit(kernel)(*tuple(_d.values())))

</pallas_src>

<mosaic_0001>
#map = affine_map<(d0, d1) -> (0, 0)>
#map1 = affine_map<(d0, d1) -> (0)>
module attributes {stable_mosaic.version = 14 : i64} {
  func.func @_sc0(%arg0: i32, %arg1: i32, %arg2: memref<1024x256xf32, #tpu.memory_space<hbm>>, %arg3: memref<32768xi32, #tpu.memory_space<hbm>>, %arg4: memref<32768x256xf32, #tpu.memory_space<hbm>>, %arg5: memref<1024xi32, #tpu.memory_space<vmem>>, %arg6: memref<128x256xf32, #tpu.memory_space<vmem>>, %arg7: memref<128x256xf32, #tpu.memory_space<vmem>>, %arg8: memref<!tpu.dma_semaphore, #tpu.memory_space<semaphore_mem>>, %arg9: memref<!tpu.dma_semaphore, #tpu.memory_space<semaphore_mem>>, %arg10: memref<!tpu.dma_semaphore, #tpu.memory_space<semaphore_mem>>, %arg11: memref<!tpu.dma_semaphore, #tpu.memory_space<semaphore_mem>>) attributes {dimension_semantics = [#tpu.dimension_semantics<core_parallel>, #tpu.dimension_semantics<subcore_parallel>], iteration_bounds = array<i64: 2, 16>, scalar_prefetch = 0 : i64, scratch_operands = 7 : i64, tpu.core_type = #tpu.core_type<sc_vector_subcore>, window_params = [{transform_indices = #map}, {transform_indices = #map1}, {transform_indices = #map}]} {
    %mul3A = arith.constant 2 : i32
    %mul3A_0 = arith.muli %arg1, %mul3A : i32
    %add3A = arith.addi %mul3A_0, %arg0 : i32
    %mul3A_1 = arith.constant 1024 : i32
    %mul3A_2 = arith.muli %add3A, %mul3A_1 : i32
    %add3A_3 = arith.constant 0 : i32
    %add3A_4 = arith.addi %add3A_3, %mul3A_2 : i32
    %mul3A_5 = arith.constant 1024 : i32
    %mul3A_6 = arith.muli %add3A, %mul3A_5 : i32
    "tpu.region"() ({
      %run_scoped3A = tpu.sem_alloc : memref<!tpu.dma_semaphore, #tpu.memory_space<semaphore_mem>>
      %dma_start3A_32 = tpu.memref_slice %arg3[%mul3A_6] : memref<32768xi32, #tpu.memory_space<hbm>> -> memref<1024xi32, #tpu.memory_space<hbm>>
      %dma_start3A_33 = tpu.memref_slice %arg3[%mul3A_6] : memref<32768xi32, #tpu.memory_space<hbm>> -> memref<1024xi32, #tpu.memory_space<hbm>>
      tpu.enqueue_dma source(%dma_start3A_33 : memref<1024xi32, #tpu.memory_space<hbm>>) target(%arg5 : memref<1024xi32, #tpu.memory_space<vmem>>) target_semaphore(%run_scoped3A : memref<!tpu.dma_semaphore, #tpu.memory_space<semaphore_mem>>)
      %dma_wait3A_34 = tpu.memref_slice %arg3[%mul3A_6] : memref<32768xi32, #tpu.memory_space<hbm>> -> memref<1024xi32, #tpu.memory_space<hbm>>
      %dma_wait3A_35 = tpu.memref_slice %arg3[%mul3A_6] : memref<32768xi32, #tpu.memory_space<hbm>> -> memref<1024xi32, #tpu.memory_space<hbm>>
      tpu.wait_dma2 semaphore(%run_scoped3A : memref<!tpu.dma_semaphore, #tpu.memory_space<semaphore_mem>>) src(%dma_wait3A_35 : memref<1024xi32, #tpu.memory_space<hbm>>) dst(%arg5 : memref<1024xi32, #tpu.memory_space<vmem>>)
      tpu.yield
    }) : () -> ()
    %dma_start3A = arith.constant 0 : i32
    %dma_start3A_7 = tpu.memref_slice %arg5[%dma_start3A] : memref<1024xi32, #tpu.memory_space<vmem>> -> memref<128xi32, #tpu.memory_space<vmem>>
    %dma_start3A_8 = arith.constant 0 : i32
    %dma_start3A_9 = arith.constant 0 : i32
    %dma_start3A_10 = tpu.memref_slice %arg2[%dma_start3A_8, %dma_start3A_9] : memref<1024x256xf32, #tpu.memory_space<hbm>> -> memref<1024x256xf32, #tpu.memory_space<hbm>>
    tpu.enqueue_indirect_dma source(%dma_start3A_10 : memref<1024x256xf32, #tpu.memory_space<hbm>>) target(%arg6 : memref<128x256xf32, #tpu.memory_space<vmem>>) offsets(%dma_start3A_7 : memref<128xi32, #tpu.memory_space<vmem>>) semaphore(%arg8 : memref<!tpu.dma_semaphore, #tpu.memory_space<semaphore_mem>>)
    %dma_start3A_11 = arith.constant 128 : i32
    %dma_start3A_12 = tpu.memref_slice %arg5[%dma_start3A_11] : memref<1024xi32, #tpu.memory_space<vmem>> -> memref<128xi32, #tpu.memory_space<vmem>>
    %dma_start3A_13 = arith.constant 0 : i32
    %dma_start3A_14 = arith.constant 0 : i32
    %dma_start3A_15 = tpu.memref_slice %arg2[%dma_start3A_13, %dma_start3A_14] : memref<1024x256xf32, #tpu.memory_space<hbm>> -> memref<1024x256xf32, #tpu.memory_space<hbm>>
    tpu.enqueue_indirect_dma source(%dma_start3A_15 : memref<1024x256xf32, #tpu.memory_space<hbm>>) target(%arg7 : memref<128x256xf32, #tpu.memory_space<vmem>>) offsets(%dma_start3A_12 : memref<128xi32, #tpu.memory_space<vmem>>) semaphore(%arg9 : memref<!tpu.dma_semaphore, #tpu.memory_space<semaphore_mem>>)
    %scan3A = arith.constant 0 : i32
    %scan3A_16 = arith.constant 0 : i32
    %scan3A_17 = arith.constant 4 : i32
    %scan3A_18 = arith.addi %scan3A_16, %scan3A_17 : i32
    %scan3A_19 = arith.constant 1 : i32
    scf.for %scan3A_32 = %scan3A_16 to %scan3A_18 step %scan3A_19  : i32 {
      %mul3A_33 = arith.constant 2 : i32
      %mul3A_34 = arith.muli %mul3A_33, %scan3A_32 : i32
      %mul3A_35 = arith.constant 128 : i32
      %mul3A_36 = arith.muli %mul3A_34, %mul3A_35 : i32
      %dma_wait3A_37 = tpu.memref_slice %arg5[%mul3A_36] : memref<1024xi32, #tpu.memory_space<vmem>> -> memref<128xi32, #tpu.memory_space<vmem>>
      %dma_wait3A_38 = arith.constant 0 : i32
      %dma_wait3A_39 = arith.constant 0 : i32
      %dma_wait3A_40 = tpu.memref_slice %arg2[%dma_wait3A_38, %dma_wait3A_39] : memref<1024x256xf32, #tpu.memory_space<hbm>> -> memref<1024x256xf32, #tpu.memory_space<hbm>>
      tpu.wait_indirect_dma semaphore(%arg8 : memref<!tpu.dma_semaphore, #tpu.memory_space<semaphore_mem>>) src(%dma_wait3A_40 : memref<1024x256xf32, #tpu.memory_space<hbm>>) dst(%arg6 : memref<128x256xf32, #tpu.memory_space<vmem>>)
      %mul3A_41 = arith.constant 128 : i32
      %mul3A_42 = arith.muli %mul3A_34, %mul3A_41 : i32
      %add3A_43 = arith.addi %add3A_4, %mul3A_42 : i32
      %dma_start3A_44 = arith.constant 0 : i32
      %dma_start3A_45 = tpu.memref_slice %arg4[%add3A_43, %dma_start3A_44] : memref<32768x256xf32, #tpu.memory_space<hbm>> -> memref<128x256xf32, #tpu.memory_space<hbm>>
      %dma_start3A_46 = arith.constant 0 : i32
      %dma_start3A_47 = tpu.memref_slice %arg4[%add3A_43, %dma_start3A_46] : memref<32768x256xf32, #tpu.memory_space<hbm>> -> memref<128x256xf32, #tpu.memory_space<hbm>>
      tpu.enqueue_dma source(%arg6 : memref<128x256xf32, #tpu.memory_space<vmem>>) target(%dma_start3A_47 : memref<128x256xf32, #tpu.memory_space<hbm>>) target_semaphore(%arg10 : memref<!tpu.dma_semaphore, #tpu.memory_space<semaphore_mem>>)
      %add3A_48 = arith.constant 1 : i32
      %add3A_49 = arith.addi %mul3A_34, %add3A_48 : i32
      %mul3A_50 = arith.constant 128 : i32
      %mul3A_51 = arith.muli %add3A_49, %mul3A_50 : i32
      %dma_wait3A_52 = tpu.memref_slice %arg5[%mul3A_51] : memref<1024xi32, #tpu.memory_space<vmem>> -> memref<128xi32, #tpu.memory_space<vmem>>
      %dma_wait3A_53 = arith.constant 0 : i32
      %dma_wait3A_54 = arith.constant 0 : i32
      %dma_wait3A_55 = tpu.memref_slice %arg2[%dma_wait3A_53, %dma_wait3A_54] : memref<1024x256xf32, #tpu.memory_space<hbm>> -> memref<1024x256xf32, #tpu.memory_space<hbm>>
      tpu.wait_indirect_dma semaphore(%arg9 : memref<!tpu.dma_semaphore, #tpu.memory_space<semaphore_mem>>) src(%dma_wait3A_55 : memref<1024x256xf32, #tpu.memory_space<hbm>>) dst(%arg7 : memref<128x256xf32, #tpu.memory_space<vmem>>)
      %add3A_56 = arith.constant 1 : i32
      %add3A_57 = arith.addi %mul3A_34, %add3A_56 : i32
      %mul3A_58 = arith.constant 128 : i32
      %mul3A_59 = arith.muli %add3A_57, %mul3A_58 : i32
      %add3A_60 = arith.addi %add3A_4, %mul3A_59 : i32
      %dma_start3A_61 = arith.constant 0 : i32
      %dma_start3A_62 = tpu.memref_slice %arg4[%add3A_60, %dma_start3A_61] : memref<32768x256xf32, #tpu.memory_space<hbm>> -> memref<128x256xf32, #tpu.memory_space<hbm>>
      %dma_start3A_63 = arith.constant 0 : i32
      %dma_start3A_64 = tpu.memref_slice %arg4[%add3A_60, %dma_start3A_63] : memref<32768x256xf32, #tpu.memory_space<hbm>> -> memref<128x256xf32, #tpu.memory_space<hbm>>
      tpu.enqueue_dma source(%arg7 : memref<128x256xf32, #tpu.memory_space<vmem>>) target(%dma_start3A_64 : memref<128x256xf32, #tpu.memory_space<hbm>>) target_semaphore(%arg11 : memref<!tpu.dma_semaphore, #tpu.memory_space<semaphore_mem>>)
      %lt3A = arith.constant 3 : i32
      %lt3A_65 = arith.cmpi slt, %scan3A_32, %lt3A : i32
      %convert_element_type3A = arith.extui %lt3A_65 : i1 to i32
      %cond3A = arith.constant 0 : i32
      %cond3A_66 = arith.cmpi ne, %convert_element_type3A, %cond3A : i32
      scf.if %cond3A_66 {
        %mul3A_67 = arith.constant 128 : i32
        %mul3A_68 = arith.muli %mul3A_34, %mul3A_67 : i32
        %add3A_69 = arith.addi %add3A_4, %mul3A_68 : i32
        %dma_wait3A_70 = arith.constant 0 : i32
        %dma_wait3A_71 = tpu.memref_slice %arg4[%add3A_69, %dma_wait3A_70] : memref<32768x256xf32, #tpu.memory_space<hbm>> -> memref<128x256xf32, #tpu.memory_space<hbm>>
        %dma_wait3A_72 = arith.constant 0 : i32
        %dma_wait3A_73 = tpu.memref_slice %arg4[%add3A_69, %dma_wait3A_72] : memref<32768x256xf32, #tpu.memory_space<hbm>> -> memref<128x256xf32, #tpu.memory_space<hbm>>
        tpu.wait_dma2 semaphore(%arg10 : memref<!tpu.dma_semaphore, #tpu.memory_space<semaphore_mem>>) src(%arg6 : memref<128x256xf32, #tpu.memory_space<vmem>>) dst(%dma_wait3A_73 : memref<128x256xf32, #tpu.memory_space<hbm>>)
        %add3A_74 = arith.constant 2 : i32
        %add3A_75 = arith.addi %mul3A_34, %add3A_74 : i32
        %mul3A_76 = arith.constant 128 : i32
        %mul3A_77 = arith.muli %add3A_75, %mul3A_76 : i32
        %dma_start3A_78 = tpu.memref_slice %arg5[%mul3A_77] : memref<1024xi32, #tpu.memory_space<vmem>> -> memref<128xi32, #tpu.memory_space<vmem>>
        %dma_start3A_79 = arith.constant 0 : i32
        %dma_start3A_80 = arith.constant 0 : i32
        %dma_start3A_81 = tpu.memref_slice %arg2[%dma_start3A_79, %dma_start3A_80] : memref<1024x256xf32, #tpu.memory_space<hbm>> -> memref<1024x256xf32, #tpu.memory_space<hbm>>
        tpu.enqueue_indirect_dma source(%dma_start3A_81 : memref<1024x256xf32, #tpu.memory_space<hbm>>) target(%arg6 : memref<128x256xf32, #tpu.memory_space<vmem>>) offsets(%dma_start3A_78 : memref<128xi32, #tpu.memory_space<vmem>>) semaphore(%arg8 : memref<!tpu.dma_semaphore, #tpu.memory_space<semaphore_mem>>)
        %add3A_82 = arith.constant 1 : i32
        %add3A_83 = arith.addi %mul3A_34, %add3A_82 : i32
        %mul3A_84 = arith.constant 128 : i32
        %mul3A_85 = arith.muli %add3A_83, %mul3A_84 : i32
        %add3A_86 = arith.addi %add3A_4, %mul3A_85 : i32
        %dma_wait3A_87 = arith.constant 0 : i32
        %dma_wait3A_88 = tpu.memref_slice %arg4[%add3A_86, %dma_wait3A_87] : memref<32768x256xf32, #tpu.memory_space<hbm>> -> memref<128x256xf32, #tpu.memory_space<hbm>>
        %dma_wait3A_89 = arith.constant 0 : i32
        %dma_wait3A_90 = tpu.memref_slice %arg4[%add3A_86, %dma_wait3A_89] : memref<32768x256xf32, #tpu.memory_space<hbm>> -> memref<128x256xf32, #tpu.memory_space<hbm>>
        tpu.wait_dma2 semaphore(%arg11 : memref<!tpu.dma_semaphore, #tpu.memory_space<semaphore_mem>>) src(%arg7 : memref<128x256xf32, #tpu.memory_space<vmem>>) dst(%dma_wait3A_90 : memref<128x256xf32, #tpu.memory_space<hbm>>)
        %add3A_91 = arith.constant 3 : i32
        %add3A_92 = arith.addi %mul3A_34, %add3A_91 : i32
        %mul3A_93 = arith.constant 128 : i32
        %mul3A_94 = arith.muli %add3A_92, %mul3A_93 : i32
        %dma_start3A_95 = tpu.memref_slice %arg5[%mul3A_94] : memref<1024xi32, #tpu.memory_space<vmem>> -> memref<128xi32, #tpu.memory_space<vmem>>
        %dma_start3A_96 = arith.constant 0 : i32
        %dma_start3A_97 = arith.constant 0 : i32
        %dma_start3A_98 = tpu.memref_slice %arg2[%dma_start3A_96, %dma_start3A_97] : memref<1024x256xf32, #tpu.memory_space<hbm>> -> memref<1024x256xf32, #tpu.memory_space<hbm>>
        tpu.enqueue_indirect_dma source(%dma_start3A_98 : memref<1024x256xf32, #tpu.memory_space<hbm>>) target(%arg7 : memref<128x256xf32, #tpu.memory_space<vmem>>) offsets(%dma_start3A_95 : memref<128xi32, #tpu.memory_space<vmem>>) semaphore(%arg9 : memref<!tpu.dma_semaphore, #tpu.memory_space<semaphore_mem>>)
      } else {
      }
    }
    %scan3A_20 = arith.constant 4 : i32
    %add3A_21 = arith.constant 768 : i32
    %add3A_22 = arith.addi %add3A_4, %add3A_21 : i32
    %dma_wait3A = arith.constant 0 : i32
    %dma_wait3A_23 = tpu.memref_slice %arg4[%add3A_22, %dma_wait3A] : memref<32768x256xf32, #tpu.memory_space<hbm>> -> memref<128x256xf32, #tpu.memory_space<hbm>>
    %dma_wait3A_24 = arith.constant 0 : i32
    %dma_wait3A_25 = tpu.memref_slice %arg4[%add3A_22, %dma_wait3A_24] : memref<32768x256xf32, #tpu.memory_space<hbm>> -> memref<128x256xf32, #tpu.memory_space<hbm>>
    tpu.wait_dma2 semaphore(%arg10 : memref<!tpu.dma_semaphore, #tpu.memory_space<semaphore_mem>>) src(%arg6 : memref<128x256xf32, #tpu.memory_space<vmem>>) dst(%dma_wait3A_25 : memref<128x256xf32, #tpu.memory_space<hbm>>)
    %add3A_26 = arith.constant 896 : i32
    %add3A_27 = arith.addi %add3A_4, %add3A_26 : i32
    %dma_wait3A_28 = arith.constant 0 : i32
    %dma_wait3A_29 = tpu.memref_slice %arg4[%add3A_27, %dma_wait3A_28] : memref<32768x256xf32, #tpu.memory_space<hbm>> -> memref<128x256xf32, #tpu.memory_space<hbm>>
    %dma_wait3A_30 = arith.constant 0 : i32
    %dma_wait3A_31 = tpu.memref_slice %arg4[%add3A_27, %dma_wait3A_30] : memref<32768x256xf32, #tpu.memory_space<hbm>> -> memref<128x256xf32, #tpu.memory_space<hbm>>
    tpu.wait_dma2 semaphore(%arg11 : memref<!tpu.dma_semaphore, #tpu.memory_space<semaphore_mem>>) src(%arg7 : memref<128x256xf32, #tpu.memory_space<vmem>>) dst(%dma_wait3A_31 : memref<128x256xf32, #tpu.memory_space<hbm>>)
    return
  }
}

#map = affine_map<(d0, d1) -> (0, 0)>
#map1 = affine_map<(d0, d1) -> (0)>
module attributes {stable_mosaic.version = 14 : i64} {
  func.func @_sc0(%arg0: i32, %arg1: i32, %arg2: memref<1024x256xf32, #tpu.memory_space<hbm>>, %arg3: memref<32768xi32, #tpu.memory_space<hbm>>, %arg4: memref<32768x256xf32, #tpu.memory_space<hbm>>, %arg5: memref<1024xi32, #tpu.memory_space<vmem>>, %arg6: memref<128x256xf32, #tpu.memory_space<vmem>>, %arg7: memref<128x256xf32, #tpu.memory_space<vmem>>, %arg8: memref<!tpu.dma_semaphore, #tpu.memory_space<semaphore_mem>>, %arg9: memref<!tpu.dma_semaphore, #tpu.memory_space<semaphore_mem>>, %arg10: memref<!tpu.dma_semaphore, #tpu.memory_space<semaphore_mem>>, %arg11: memref<!tpu.dma_semaphore, #tpu.memory_space<semaphore_mem>>) attributes {dimension_semantics = [#tpu.dimension_semantics<core_parallel>, #tpu.dimension_semantics<subcore_parallel>], iteration_bounds = array<i64: 2, 16>, scalar_prefetch = 0 : i64, scratch_operands = 7 : i64, tpu.core_type = #tpu.core_type<sc_vector_subcore>, window_params = [{transform_indices = #map}, {transform_indices = #map1}, {transform_indices = #map}]} {
    %mul3A = arith.constant 2 : i32
    %mul3A_0 = arith.muli %arg1, %mul3A : i32
    %add3A = arith.addi %mul3A_0, %arg0 : i32
    %mul3A_1 = arith.constant 1024 : i32
    %mul3A_2 = arith.muli %add3A, %mul3A_1 : i32
    %add3A_3 = arith.constant 0 : i32
    %add3A_4 = arith.addi %add3A_3, %mul3A_2 : i32
    %mul3A_5 = arith.constant 1024 : i32
    %mul3A_6 = arith.muli %add3A, %mul3A_5 : i32
    "tpu.region"() ({
      %run_scoped3A = tpu.sem_alloc : memref<!tpu.dma_semaphore, #tpu.memory_space<semaphore_mem>>
      %dma_start3A_32 = tpu.memref_slice %arg3[%mul3A_6] : memref<32768xi32, #tpu.memory_space<hbm>> -> memref<1024xi32, #tpu.memory_space<hbm>>
      %dma_start3A_33 = tpu.memref_slice %arg3[%mul3A_6] : memref<32768xi32, #tpu.memory_space<hbm>> -> memref<1024xi32, #tpu.memory_space<hbm>>
      tpu.enqueue_dma source(%dma_start3A_33 : memref<1024xi32, #tpu.memory_space<hbm>>) target(%arg5 : memref<1024xi32, #tpu.memory_space<vmem>>) target_semaphore(%run_scoped3A : memref<!tpu.dma_semaphore, #tpu.memory_space<semaphore_mem>>)
      %dma_wait3A_34 = tpu.memref_slice %arg3[%mul3A_6] : memref<32768xi32, #tpu.memory_space<hbm>> -> memref<1024xi32, #tpu.memory_space<hbm>>
      %dma_wait3A_35 = tpu.memref_slice %arg3[%mul3A_6] : memref<32768xi32, #tpu.memory_space<hbm>> -> memref<1024xi32, #tpu.memory_space<hbm>>
      tpu.wait_dma2 semaphore(%run_scoped3A : memref<!tpu.dma_semaphore, #tpu.memory_space<semaphore_mem>>) src(%dma_wait3A_35 : memref<1024xi32, #tpu.memory_space<hbm>>) dst(%arg5 : memref<1024xi32, #tpu.memory_space<vmem>>)
      tpu.yield
    }) : () -> ()
    %dma_start3A = arith.constant 0 : i32
    %dma_start3A_7 = tpu.memref_slice %arg5[%dma_start3A] : memref<1024xi32, #tpu.memory_space<vmem>> -> memref<128xi32, #tpu.memory_space<vmem>>
    %dma_start3A_8 = arith.constant 0 : i32
    %dma_start3A_9 = arith.constant 0 : i32
    %dma_start3A_10 = tpu.memref_slice %arg2[%dma_start3A_8, %dma_start3A_9] : memref<1024x256xf32, #tpu.memory_space<hbm>> -> memref<1024x256xf32, #tpu.memory_space<hbm>>
    tpu.enqueue_indirect_dma source(%dma_start3A_10 : memref<1024x256xf32, #tpu.memory_space<hbm>>) target(%arg6 : memref<128x256xf32, #tpu.memory_space<vmem>>) offsets(%dma_start3A_7 : memref<128xi32, #tpu.memory_space<vmem>>) semaphore(%arg8 : memref<!tpu.dma_semaphore, #tpu.memory_space<semaphore_mem>>)
    %dma_start3A_11 = arith.constant 128 : i32
    %dma_start3A_12 = tpu.memref_slice %arg5[%dma_start3A_11] : memref<1024xi32, #tpu.memory_space<vmem>> -> memref<128xi32, #tpu.memory_space<vmem>>
    %dma_start3A_13 = arith.constant 0 : i32
    %dma_start3A_14 = arith.constant 0 : i32
    %dma_start3A_15 = tpu.memref_slice %arg2[%dma_start3A_13, %dma_start3A_14] : memref<1024x256xf32, #tpu.memory_space<hbm>> -> memref<1024x256xf32, #tpu.memory_space<hbm>>
    tpu.enqueue_indirect_dma source(%dma_start3A_15 : memref<1024x256xf32, #tpu.memory_space<hbm>>) target(%arg7 : memref<128x256xf32, #tpu.memory_space<vmem>>) offsets(%dma_start3A_12 : memref<128xi32, #tpu.memory_space<vmem>>) semaphore(%arg9 : memref<!tpu.dma_semaphore, #tpu.memory_space<semaphore_mem>>)
    %scan3A = arith.constant 0 : i32
    %scan3A_16 = arith.constant 0 : i32
    %scan3A_17 = arith.constant 4 : i32
    %scan3A_18 = arith.addi %scan3A_16, %scan3A_17 : i32
    %scan3A_19 = arith.constant 1 : i32
    scf.for %scan3A_32 = %scan3A_16 to %scan3A_18 step %scan3A_19  : i32 {
      %mul3A_33 = arith.constant 2 : i32
      %mul3A_34 = arith.muli %mul3A_33, %scan3A_32 : i32
      %mul3A_35 = arith.constant 128 : i32
      %mul3A_36 = arith.muli %mul3A_34, %mul3A_35 : i32
      %dma_wait3A_37 = tpu.memref_slice %arg5[%mul3A_36] : memref<1024xi32, #tpu.memory_space<vmem>> -> memref<128xi32, #tpu.memory_space<vmem>>
      %dma_wait3A_38 = arith.constant 0 : i32
      %dma_wait3A_39 = arith.constant 0 : i32
      %dma_wait3A_40 = tpu.memref_slice %arg2[%dma_wait3A_38, %dma_wait3A_39] : memref<1024x256xf32, #tpu.memory_space<hbm>> -> memref<1024x256xf32, #tpu.memory_space<hbm>>
      tpu.wait_indirect_dma semaphore(%arg8 : memref<!tpu.dma_semaphore, #tpu.memory_space<semaphore_mem>>) src(%dma_wait3A_40 : memref<1024x256xf32, #tpu.memory_space<hbm>>) dst(%arg6 : memref<128x256xf32, #tpu.memory_space<vmem>>)
      %mul3A_41 = arith.constant 128 : i32
      %mul3A_42 = arith.muli %mul3A_34, %mul3A_41 : i32
      %add3A_43 = arith.addi %add3A_4, %mul3A_42 : i32
      %dma_start3A_44 = arith.constant 0 : i32
      %dma_start3A_45 = tpu.memref_slice %arg4[%add3A_43, %dma_start3A_44] : memref<32768x256xf32, #tpu.memory_space<hbm>> -> memref<128x256xf32, #tpu.memory_space<hbm>>
      %dma_start3A_46 = arith.constant 0 : i32
      %dma_start3A_47 = tpu.memref_slice %arg4[%add3A_43, %dma_start3A_46] : memref<32768x256xf32, #tpu.memory_space<hbm>> -> memref<128x256xf32, #tpu.memory_space<hbm>>
      tpu.enqueue_dma source(%arg6 : memref<128x256xf32, #tpu.memory_space<vmem>>) target(%dma_start3A_47 : memref<128x256xf32, #tpu.memory_space<hbm>>) target_semaphore(%arg10 : memref<!tpu.dma_semaphore, #tpu.memory_space<semaphore_mem>>)
      %add3A_48 = arith.constant 1 : i32
      %add3A_49 = arith.addi %mul3A_34, %add3A_48 : i32
      %mul3A_50 = arith.constant 128 : i32
      %mul3A_51 = arith.muli %add3A_49, %mul3A_50 : i32
      %dma_wait3A_52 = tpu.memref_slice %arg5[%mul3A_51] : memref<1024xi32, #tpu.memory_space<vmem>> -> memref<128xi32, #tpu.memory_space<vmem>>
      %dma_wait3A_53 = arith.constant 0 : i32
      %dma_wait3A_54 = arith.constant 0 : i32
      %dma_wait3A_55 = tpu.memref_slice %arg2[%dma_wait3A_53, %dma_wait3A_54] : memref<1024x256xf32, #tpu.memory_space<hbm>> -> memref<1024x256xf32, #tpu.memory_space<hbm>>
      tpu.wait_indirect_dma semaphore(%arg9 : memref<!tpu.dma_semaphore, #tpu.memory_space<semaphore_mem>>) src(%dma_wait3A_55 : memref<1024x256xf32, #tpu.memory_space<hbm>>) dst(%arg7 : memref<128x256xf32, #tpu.memory_space<vmem>>)
      %add3A_56 = arith.constant 1 : i32
      %add3A_57 = arith.addi %mul3A_34, %add3A_56 : i32
      %mul3A_58 = arith.constant 128 : i32
      %mul3A_59 = arith.muli %add3A_57, %mul3A_58 : i32
      %add3A_60 = arith.addi %add3A_4, %mul3A_59 : i32
      %dma_start3A_61 = arith.constant 0 : i32
      %dma_start3A_62 = tpu.memref_slice %arg4[%add3A_60, %dma_start3A_61] : memref<32768x256xf32, #tpu.memory_space<hbm>> -> memref<128x256xf32, #tpu.memory_space<hbm>>
      %dma_start3A_63 = arith.constant 0 : i32
      %dma_start3A_64 = tpu.memref_slice %arg4[%add3A_60, %dma_start3A_63] : memref<32768x256xf32, #tpu.memory_space<hbm>> -> memref<128x256xf32, #tpu.memory_space<hbm>>
      tpu.enqueue_dma source(%arg7 : memref<128x256xf32, #tpu.memory_space<vmem>>) target(%dma_start3A_64 : memref<128x256xf32, #tpu.memory_space<hbm>>) target_semaphore(%arg11 : memref<!tpu.dma_semaphore, #tpu.memory_space<semaphore_mem>>)
      %lt3A = arith.constant 3 : i32
      %lt3A_65 = arith.cmpi slt, %scan3A_32, %lt3A : i32
      %convert_element_type3A = arith.extui %lt3A_65 : i1 to i32
      %cond3A = arith.constant 0 : i32
      %cond3A_66 = arith.cmpi ne, %convert_element_type3A, %cond3A : i32
      scf.if %cond3A_66 {
        %mul3A_67 = arith.constant 128 : i32
        %mul3A_68 = arith.muli %mul3A_34, %mul3A_67 : i32
        %add3A_69 = arith.addi %add3A_4, %mul3A_68 : i32
        %dma_wait3A_70 = arith.constant 0 : i32
        %dma_wait3A_71 = tpu.memref_slice %arg4[%add3A_69, %dma_wait3A_70] : memref<32768x256xf32, #tpu.memory_space<hbm>> -> memref<128x256xf32, #tpu.memory_space<hbm>>
        %dma_wait3A_72 = arith.constant 0 : i32
        %dma_wait3A_73 = tpu.memref_slice %arg4[%add3A_69, %dma_wait3A_72] : memref<32768x256xf32, #tpu.memory_space<hbm>> -> memref<128x256xf32, #tpu.memory_space<hbm>>
        tpu.wait_dma2 semaphore(%arg10 : memref<!tpu.dma_semaphore, #tpu.memory_space<semaphore_mem>>) src(%arg6 : memref<128x256xf32, #tpu.memory_space<vmem>>) dst(%dma_wait3A_73 : memref<128x256xf32, #tpu.memory_space<hbm>>)
        %add3A_74 = arith.constant 2 : i32
        %add3A_75 = arith.addi %mul3A_34, %add3A_74 : i32
        %mul3A_76 = arith.constant 128 : i32
        %mul3A_77 = arith.muli %add3A_75, %mul3A_76 : i32
        %dma_start3A_78 = tpu.memref_slice %arg5[%mul3A_77] : memref<1024xi32, #tpu.memory_space<vmem>> -> memref<128xi32, #tpu.memory_space<vmem>>
        %dma_start3A_79 = arith.constant 0 : i32
        %dma_start3A_80 = arith.constant 0 : i32
        %dma_start3A_81 = tpu.memref_slice %arg2[%dma_start3A_79, %dma_start3A_80] : memref<1024x256xf32, #tpu.memory_space<hbm>> -> memref<1024x256xf32, #tpu.memory_space<hbm>>
        tpu.enqueue_indirect_dma source(%dma_start3A_81 : memref<1024x256xf32, #tpu.memory_space<hbm>>) target(%arg6 : memref<128x256xf32, #tpu.memory_space<vmem>>) offsets(%dma_start3A_78 : memref<128xi32, #tpu.memory_space<vmem>>) semaphore(%arg8 : memref<!tpu.dma_semaphore, #tpu.memory_space<semaphore_mem>>)
        %add3A_82 = arith.constant 1 : i32
        %add3A_83 = arith.addi %mul3A_34, %add3A_82 : i32
        %mul3A_84 = arith.constant 128 : i32
        %mul3A_85 = arith.muli %add3A_83, %mul3A_84 : i32
        %add3A_86 = arith.addi %add3A_4, %mul3A_85 : i32
        %dma_wait3A_87 = arith.constant 0 : i32
        %dma_wait3A_88 = tpu.memref_slice %arg4[%add3A_86, %dma_wait3A_87] : memref<32768x256xf32, #tpu.memory_space<hbm>> -> memref<128x256xf32, #tpu.memory_space<hbm>>
        %dma_wait3A_89 = arith.constant 0 : i32
        %dma_wait3A_90 = tpu.memref_slice %arg4[%add3A_86, %dma_wait3A_89] : memref<32768x256xf32, #tpu.memory_space<hbm>> -> memref<128x256xf32, #tpu.memory_space<hbm>>
        tpu.wait_dma2 semaphore(%arg11 : memref<!tpu.dma_semaphore, #tpu.memory_space<semaphore_mem>>) src(%arg7 : memref<128x256xf32, #tpu.memory_space<vmem>>) dst(%dma_wait3A_90 : memref<128x256xf32, #tpu.memory_space<hbm>>)
        %add3A_91 = arith.constant 3 : i32
        %add3A_92 = arith.addi %mul3A_34, %add3A_91 : i32
        %mul3A_93 = arith.constant 128 : i32
        %mul3A_94 = arith.muli %add3A_92, %mul3A_93 : i32
        %dma_start3A_95 = tpu.memref_slice %arg5[%mul3A_94] : memref<1024xi32, #tpu.memory_space<vmem>> -> memref<128xi32, #tpu.memory_space<vmem>>
        %dma_start3A_96 = arith.constant 0 : i32
        %dma_start3A_97 = arith.constant 0 : i32
        %dma_start3A_98 = tpu.memref_slice %arg2[%dma_start3A_96, %dma_start3A_97] : memref<1024x256xf32, #tpu.memory_space<hbm>> -> memref<1024x256xf32, #tpu.memory_space<hbm>>
        tpu.enqueue_indirect_dma source(%dma_start3A_98 : memref<1024x256xf32, #tpu.memory_space<hbm>>) target(%arg7 : memref<128x256xf32, #tpu.memory_space<vmem>>) offsets(%dma_start3A_95 : memref<128xi32, #tpu.memory_space<vmem>>) semaphore(%arg9 : memref<!tpu.dma_semaphore, #tpu.memory_space<semaphore_mem>>)
      } else {
      }
    }
    %scan3A_20 = arith.constant 4 : i32
    %add3A_21 = arith.constant 768 : i32
    %add3A_22 = arith.addi %add3A_4, %add3A_21 : i32
    %dma_wait3A = arith.constant 0 : i32
    %dma_wait3A_23 = tpu.memref_slice %arg4[%add3A_22, %dma_wait3A] : memref<32768x256xf32, #tpu.memory_space<hbm>> -> memref<128x256xf32, #tpu.memory_space<hbm>>
    %dma_wait3A_24 = arith.constant 0 : i32
    %dma_wait3A_25 = tpu.memref_slice %arg4[%add3A_22, %dma_wait3A_24] : memref<32768x256xf32, #tpu.memory_space<hbm>> -> memref<128x256xf32, #tpu.memory_space<hbm>>
    tpu.wait_dma2 semaphore(%arg10 : memref<!tpu.dma_semaphore, #tpu.memory_space<semaphore_mem>>) src(%arg6 : memref<128x256xf32, #tpu.memory_space<vmem>>) dst(%dma_wait3A_25 : memref<128x256xf32, #tpu.memory_space<hbm>>)
    %add3A_26 = arith.constant 896 : i32
    %add3A_27 = arith.addi %add3A_4, %add3A_26 : i32
    %dma_wait3A_28 = arith.constant 0 : i32
    %dma_wait3A_29 = tpu.memref_slice %arg4[%add3A_27, %dma_wait3A_28] : memref<32768x256xf32, #tpu.memory_space<hbm>> -> memref<128x256xf32, #tpu.memory_space<hbm>>
    %dma_wait3A_30 = arith.constant 0 : i32
    %dma_wait3A_31 = tpu.memref_slice %arg4[%add3A_27, %dma_wait3A_30] : memref<32768x256xf32, #tpu.memory_space<hbm>> -> memref<128x256xf32, #tpu.memory_space<hbm>>
    tpu.wait_dma2 semaphore(%arg11 : memref<!tpu.dma_semaphore, #tpu.memory_space<semaphore_mem>>) src(%arg7 : memref<128x256xf32, #tpu.memory_space<vmem>>) dst(%dma_wait3A_31 : memref<128x256xf32, #tpu.memory_space<hbm>>)
    return
  }
}

module attributes {stable_mosaic.version = 14 : i64} {
  func.func @_cdec_body(%arg0: memref<1024x64xf32, #tpu.memory_space<vmem>>, %arg1: memref<64x256xf32, #tpu.memory_space<vmem>>, %arg2: memref<1x256xf32, #tpu.memory_space<vmem>>, %arg3: memref<1024x256xf32, #tpu.memory_space<vmem>>) attributes {dimension_semantics = [], scalar_prefetch = 0 : i64, scratch_operands = 0 : i64, tpu.core_type = #tpu.core_type<tc>} {
    %get3A = arith.constant 0 : index
    %get3A_0 = arith.constant 0 : index
    %get3A_1 = vector.load %arg0[%get3A, %get3A_0] : memref<1024x64xf32, #tpu.memory_space<vmem>>, vector<1024x64xf32>
    %get3A_2 = arith.constant 0 : index
    %get3A_3 = arith.constant 0 : index
    %get3A_4 = vector.load %arg1[%get3A_2, %get3A_3] : memref<64x256xf32, #tpu.memory_space<vmem>>, vector<64x256xf32>
    %dot_general3A = arith.constant dense<0.000000e+00> : vector<1024x256xf32>
    %dot_general3A_5 = tpu.matmul %get3A_1, %get3A_4, %dot_general3A {dimension_numbers = #tpu.dot_dimension_numbers<[1], [0], [0], [1], [0, 0, 1, 1], [], []>, transpose_lhs_hint = false} : vector<1024x64xf32>, vector<64x256xf32>, vector<1024x256xf32> -> vector<1024x256xf32>
    %get3A_6 = arith.constant 0 : index
    %get3A_7 = arith.constant 0 : index
    %get3A_8 = vector.load %arg2[%get3A_6, %get3A_7] : memref<1x256xf32, #tpu.memory_space<vmem>>, vector<1x256xf32>
    %add3A = vector.broadcast %get3A_8 : vector<1x256xf32> to vector<1024x256xf32>
    %add3A_9 = arith.addf %dot_general3A_5, %add3A : vector<1024x256xf32>
    %swap3A = arith.constant 0 : index
    %swap3A_10 = arith.constant 0 : index
    %swap3A_11 = vector.load %arg3[%swap3A, %swap3A_10] : memref<1024x256xf32, #tpu.memory_space<vmem>>, vector<1024x256xf32>
    tpu.vector_store %arg3[%swap3A, %swap3A_10], %add3A_9 {strides = array<i32>} : memref<1024x256xf32, #tpu.memory_space<vmem>>, vector<1024x256xf32>,
    return
  }
}

module attributes {stable_mosaic.version = 14 : i64} {
  func.func @_tc_idx_body(%arg0: i32, %arg1: memref<2048x256xf32, #tpu.memory_space<vmem>>, %arg2: memref<256x64xf32, #tpu.memory_space<vmem>>, %arg3: memref<1x64xf32, #tpu.memory_space<vmem>>, %arg4: memref<1024x64xf32, #tpu.memory_space<vmem>>, %arg5: memref<1x1x2048xi32, #tpu.memory_space<vmem>>) attributes {dimension_semantics = [#tpu.dimension_semantics<arbitrary>], iteration_bounds = array<i64: 16>, scalar_prefetch = 0 : i64, scratch_operands = 0 : i64, tpu.core_type = #tpu.core_type<tc>, window_params = [{transform_indices = @transform_0, window_bounds = array<i64: 2048, 256>}, {pipeline_mode = #tpu.pipeline_mode<synchronous>, transform_indices = @transform_1, window_bounds = array<i64: 256, 64>}, {pipeline_mode = #tpu.pipeline_mode<synchronous>, transform_indices = @transform_2, window_bounds = array<i64: 1, 64>}, {pipeline_mode = #tpu.pipeline_mode<synchronous>, transform_indices = @transform_3, window_bounds = array<i64: 1024, 64>}, {transform_indices = @transform_4, window_bounds = array<i64: 1, 1, 2048>}]} {
    %get3A = arith.constant 0 : index
    %get3A_0 = arith.constant 0 : index
    %get3A_1 = vector.load %arg1[%get3A, %get3A_0] : memref<2048x256xf32, #tpu.memory_space<vmem>>, vector<2048x256xf32>
    %get3A_2 = arith.constant 0 : index
    %get3A_3 = arith.constant 0 : index
    %get3A_4 = vector.load %arg2[%get3A_2, %get3A_3] : memref<256x64xf32, #tpu.memory_space<vmem>>, vector<256x64xf32>
    %get3A_5 = arith.constant 0 : index
    %get3A_6 = arith.constant 0 : index
    %get3A_7 = vector.load %arg3[%get3A_5, %get3A_6] : memref<1x64xf32, #tpu.memory_space<vmem>>, vector<1x64xf32>
    %get3A_8 = arith.constant 0 : index
    %get3A_9 = arith.constant 0 : index
    %get3A_10 = vector.load %arg4[%get3A_8, %get3A_9] : memref<1024x64xf32, #tpu.memory_space<vmem>>, vector<1024x64xf32>
    %dot_general3A = arith.constant dense<0.000000e+00> : vector<2048x64xf32>
    %dot_general3A_11 = tpu.matmul %get3A_1, %get3A_4, %dot_general3A {dimension_numbers = #tpu.dot_dimension_numbers<[1], [0], [0], [1], [0, 0, 1, 1], [], []>, transpose_lhs_hint = false} : vector<2048x256xf32>, vector<256x64xf32>, vector<2048x64xf32> -> vector<2048x64xf32>
    %add3A = vector.broadcast %get3A_7 : vector<1x64xf32> to vector<2048x64xf32>
    %add3A_12 = arith.addf %dot_general3A_11, %add3A : vector<2048x64xf32>
    %dot_general3A_13 = arith.constant dense<0.000000e+00> : vector<1024x2048xf32>
    %dot_general3A_14 = tpu.matmul %get3A_10, %add3A_12, %dot_general3A_13 {dimension_numbers = #tpu.dot_dimension_numbers<[1], [1], [0], [0], [0, 0, 1, 0], [], []>, transpose_lhs_hint = false} : vector<1024x64xf32>, vector<2048x64xf32>, vector<1024x2048xf32> -> vector<1024x2048xf32>
    %broadcast_in_dim3A = arith.constant 1.000000e+00 : f32
    %broadcast_in_dim3A_15 = vector.broadcast %broadcast_in_dim3A : f32 to vector<1x64xf32>
    %mul3A = arith.mulf %add3A_12, %add3A_12 : vector<2048x64xf32>
    %dot_general3A_16 = arith.constant dense<0.000000e+00> : vector<1x2048xf32>
    %dot_general3A_17 = tpu.matmul %broadcast_in_dim3A_15, %mul3A, %dot_general3A_16 {dimension_numbers = #tpu.dot_dimension_numbers<[1], [1], [0], [0], [0, 0, 1, 0], [], []>, precision = #tpu.contract_precision<fp32>, transpose_lhs_hint = false} : vector<1x64xf32>, vector<2048x64xf32>, vector<1x2048xf32> -> vector<1x2048xf32>
    %mul3A_18 = arith.mulf %get3A_10, %get3A_10 : vector<1024x64xf32>
    %reduce_sum3A = arith.constant dense<0.000000e+00> : vector<1024xf32>
    %reduce_sum3A_19 = vector.multi_reduction <add>, %mul3A_18, %reduce_sum3A [1] : vector<1024x64xf32> to vector<1024xf32>
    %broadcast_in_dim3A_20 = vector.shape_cast %reduce_sum3A_19 : vector<1024xf32> to vector<1024x1xf32>
    %mul3A_21 = arith.constant 2.000000e+00 : f32
    %mul3A_22 = vector.broadcast %mul3A_21 : f32 to vector<1024x2048xf32>
    %mul3A_23 = arith.mulf %mul3A_22, %dot_general3A_14 : vector<1024x2048xf32>
    %sub3A = vector.broadcast %dot_general3A_17 : vector<1x2048xf32> to vector<1024x2048xf32>
    %sub3A_24 = arith.subf %sub3A, %mul3A_23 : vector<1024x2048xf32>
    %add3A_25 = vector.broadcast %broadcast_in_dim3A_20 : vector<1024x1xf32> to vector<1024x2048xf32>
    %add3A_26 = arith.addf %sub3A_24, %add3A_25 : vector<1024x2048xf32>
    %reduce_min3A = arith.constant dense<0x7F800000> : vector<2048xf32>
    %reduce_min3A_27 = vector.multi_reduction <minimumf>, %add3A_26, %reduce_min3A [0] : vector<1024x2048xf32> to vector<2048xf32>
    %broadcast_in_dim3A_28 = vector.shape_cast %reduce_min3A_27 : vector<2048xf32> to vector<1x2048xf32>
    %iota3A = tpu.iota {dimensions = array<i32: 0>} : vector<1024x2048xi32>
    %eq3A = vector.broadcast %broadcast_in_dim3A_28 : vector<1x2048xf32> to vector<1024x2048xf32>
    %eq3A_29 = arith.cmpf oeq, %add3A_26, %eq3A : vector<1024x2048xf32>
    %jit3A = arith.constant 1024 : i32
    %broadcast_in_dim3A_30 = vector.broadcast %jit3A : i32 to vector<1024x2048xi32>
    %select_n3A = arith.select %eq3A_29, %iota3A, %broadcast_in_dim3A_30 : vector<1024x2048xi1>, vector<1024x2048xi32>
    %reduce_min3A_31 = arith.constant dense<2147483647> : vector<2048xi32>
    %reduce_min3A_32 = vector.multi_reduction <minsi>, %select_n3A, %reduce_min3A_31 [0] : vector<1024x2048xi32> to vector<2048xi32>
    %broadcast_in_dim3A_33 = vector.shape_cast %reduce_min3A_32 : vector<2048xi32> to vector<1x2048xi32>
    %broadcast_in_dim3A_34 = vector.shape_cast %broadcast_in_dim3A_33 : vector<1x2048xi32> to vector<1x1x2048xi32>
    %swap3A = arith.constant 0 : index
    %swap3A_35 = arith.constant 0 : index
    %swap3A_36 = arith.constant 0 : index
    %swap3A_37 = vector.load %arg5[%swap3A, %swap3A_35, %swap3A_36] : memref<1x1x2048xi32, #tpu.memory_space<vmem>>, vector<1x1x2048xi32>
    tpu.vector_store %arg5[%swap3A, %swap3A_35, %swap3A_36], %broadcast_in_dim3A_34 {strides = array<i32>} : memref<1x1x2048xi32, #tpu.memory_space<vmem>>, vector<1x1x2048xi32>,
    return
  }
  func.func @transform_0(%arg0: i32) -> (i32, i32) {
    %add3A = arith.constant 16 : i32
    %add3A_0 = arith.addi %arg0, %add3A : i32
    %c0_i32 = arith.constant 0 : i32
    %c0_i32_1 = arith.constant 0 : i32
    return %add3A_0, %c0_i32 : i32, i32
  }
  func.func @transform_1(%arg0: i32) -> (i32, i32) {
    %c0_i32 = arith.constant 0 : i32
    %c0_i32_0 = arith.constant 0 : i32
    %c0_i32_1 = arith.constant 0 : i32
    return %c0_i32, %c0_i32_0 : i32, i32
  }
  func.func @transform_2(%arg0: i32) -> (i32, i32) {
    %c0_i32 = arith.constant 0 : i32
    %c0_i32_0 = arith.constant 0 : i32
    %c0_i32_1 = arith.constant 0 : i32
    return %c0_i32, %c0_i32_0 : i32, i32
  }
  func.func @transform_3(%arg0: i32) -> (i32, i32) {
    %c0_i32 = arith.constant 0 : i32
    %c0_i32_0 = arith.constant 0 : i32
    %c0_i32_1 = arith.constant 0 : i32
    return %c0_i32, %c0_i32_0 : i32, i32
  }
  func.func @transform_4(%arg0: i32) -> (i32, i32, i32) {
    %c0_i32 = arith.constant 0 : i32
    %c0_i32_0 = arith.constant 0 : i32
    %c0_i32_1 = arith.constant 0 : i32
    return %arg0, %c0_i32, %c0_i32_0 : i32, i32, i32
  }
}

module attributes {stable_mosaic.version = 14 : i64} {
  func.func @_tc_idx_body(%arg0: i32, %arg1: memref<2048x256xf32, #tpu.memory_space<vmem>>, %arg2: memref<256x64xf32, #tpu.memory_space<vmem>>, %arg3: memref<1x64xf32, #tpu.memory_space<vmem>>, %arg4: memref<1024x64xf32, #tpu.memory_space<vmem>>, %arg5: memref<1x1x2048xi32, #tpu.memory_space<vmem>>) attributes {dimension_semantics = [#tpu.dimension_semantics<arbitrary>], iteration_bounds = array<i64: 16>, scalar_prefetch = 0 : i64, scratch_operands = 0 : i64, tpu.core_type = #tpu.core_type<tc>, window_params = [{transform_indices = @transform_0, window_bounds = array<i64: 2048, 256>}, {pipeline_mode = #tpu.pipeline_mode<synchronous>, transform_indices = @transform_1, window_bounds = array<i64: 256, 64>}, {pipeline_mode = #tpu.pipeline_mode<synchronous>, transform_indices = @transform_2, window_bounds = array<i64: 1, 64>}, {pipeline_mode = #tpu.pipeline_mode<synchronous>, transform_indices = @transform_3, window_bounds = array<i64: 1024, 64>}, {transform_indices = @transform_4, window_bounds = array<i64: 1, 1, 2048>}]} {
    %get3A = arith.constant 0 : index
    %get3A_0 = arith.constant 0 : index
    %get3A_1 = vector.load %arg1[%get3A, %get3A_0] : memref<2048x256xf32, #tpu.memory_space<vmem>>, vector<2048x256xf32>
    %get3A_2 = arith.constant 0 : index
    %get3A_3 = arith.constant 0 : index
    %get3A_4 = vector.load %arg2[%get3A_2, %get3A_3] : memref<256x64xf32, #tpu.memory_space<vmem>>, vector<256x64xf32>
    %get3A_5 = arith.constant 0 : index
    %get3A_6 = arith.constant 0 : index
    %get3A_7 = vector.load %arg3[%get3A_5, %get3A_6] : memref<1x64xf32, #tpu.memory_space<vmem>>, vector<1x64xf32>
    %get3A_8 = arith.constant 0 : index
    %get3A_9 = arith.constant 0 : index
    %get3A_10 = vector.load %arg4[%get3A_8, %get3A_9] : memref<1024x64xf32, #tpu.memory_space<vmem>>, vector<1024x64xf32>
    %dot_general3A = arith.constant dense<0.000000e+00> : vector<2048x64xf32>
    %dot_general3A_11 = tpu.matmul %get3A_1, %get3A_4, %dot_general3A {dimension_numbers = #tpu.dot_dimension_numbers<[1], [0], [0], [1], [0, 0, 1, 1], [], []>, transpose_lhs_hint = false} : vector<2048x256xf32>, vector<256x64xf32>, vector<2048x64xf32> -> vector<2048x64xf32>
    %add3A = vector.broadcast %get3A_7 : vector<1x64xf32> to vector<2048x64xf32>
    %add3A_12 = arith.addf %dot_general3A_11, %add3A : vector<2048x64xf32>
    %dot_general3A_13 = arith.constant dense<0.000000e+00> : vector<1024x2048xf32>
    %dot_general3A_14 = tpu.matmul %get3A_10, %add3A_12, %dot_general3A_13 {dimension_numbers = #tpu.dot_dimension_numbers<[1], [1], [0], [0], [0, 0, 1, 0], [], []>, transpose_lhs_hint = false} : vector<1024x64xf32>, vector<2048x64xf32>, vector<1024x2048xf32> -> vector<1024x2048xf32>
    %broadcast_in_dim3A = arith.constant 1.000000e+00 : f32
    %broadcast_in_dim3A_15 = vector.broadcast %broadcast_in_dim3A : f32 to vector<1x64xf32>
    %mul3A = arith.mulf %add3A_12, %add3A_12 : vector<2048x64xf32>
    %dot_general3A_16 = arith.constant dense<0.000000e+00> : vector<1x2048xf32>
    %dot_general3A_17 = tpu.matmul %broadcast_in_dim3A_15, %mul3A, %dot_general3A_16 {dimension_numbers = #tpu.dot_dimension_numbers<[1], [1], [0], [0], [0, 0, 1, 0], [], []>, precision = #tpu.contract_precision<fp32>, transpose_lhs_hint = false} : vector<1x64xf32>, vector<2048x64xf32>, vector<1x2048xf32> -> vector<1x2048xf32>
    %mul3A_18 = arith.mulf %get3A_10, %get3A_10 : vector<1024x64xf32>
    %reduce_sum3A = arith.constant dense<0.000000e+00> : vector<1024xf32>
    %reduce_sum3A_19 = vector.multi_reduction <add>, %mul3A_18, %reduce_sum3A [1] : vector<1024x64xf32> to vector<1024xf32>
    %broadcast_in_dim3A_20 = vector.shape_cast %reduce_sum3A_19 : vector<1024xf32> to vector<1024x1xf32>
    %mul3A_21 = arith.constant 2.000000e+00 : f32
    %mul3A_22 = vector.broadcast %mul3A_21 : f32 to vector<1024x2048xf32>
    %mul3A_23 = arith.mulf %mul3A_22, %dot_general3A_14 : vector<1024x2048xf32>
    %sub3A = vector.broadcast %dot_general3A_17 : vector<1x2048xf32> to vector<1024x2048xf32>
    %sub3A_24 = arith.subf %sub3A, %mul3A_23 : vector<1024x2048xf32>
    %add3A_25 = vector.broadcast %broadcast_in_dim3A_20 : vector<1024x1xf32> to vector<1024x2048xf32>
    %add3A_26 = arith.addf %sub3A_24, %add3A_25 : vector<1024x2048xf32>
    %reduce_min3A = arith.constant dense<0x7F800000> : vector<2048xf32>
    %reduce_min3A_27 = vector.multi_reduction <minimumf>, %add3A_26, %reduce_min3A [0] : vector<1024x2048xf32> to vector<2048xf32>
    %broadcast_in_dim3A_28 = vector.shape_cast %reduce_min3A_27 : vector<2048xf32> to vector<1x2048xf32>
    %iota3A = tpu.iota {dimensions = array<i32: 0>} : vector<1024x2048xi32>
    %eq3A = vector.broadcast %broadcast_in_dim3A_28 : vector<1x2048xf32> to vector<1024x2048xf32>
    %eq3A_29 = arith.cmpf oeq, %add3A_26, %eq3A : vector<1024x2048xf32>
    %jit3A = arith.constant 1024 : i32
    %broadcast_in_dim3A_30 = vector.broadcast %jit3A : i32 to vector<1024x2048xi32>
    %select_n3A = arith.select %eq3A_29, %iota3A, %broadcast_in_dim3A_30 : vector<1024x2048xi1>, vector<1024x2048xi32>
    %reduce_min3A_31 = arith.constant dense<2147483647> : vector<2048xi32>
    %reduce_min3A_32 = vector.multi_reduction <minsi>, %select_n3A, %reduce_min3A_31 [0] : vector<1024x2048xi32> to vector<2048xi32>
    %broadcast_in_dim3A_33 = vector.shape_cast %reduce_min3A_32 : vector<2048xi32> to vector<1x2048xi32>
    %broadcast_in_dim3A_34 = vector.shape_cast %broadcast_in_dim3A_33 : vector<1x2048xi32> to vector<1x1x2048xi32>
    %swap3A = arith.constant 0 : index
    %swap3A_35 = arith.constant 0 : index
    %swap3A_36 = arith.constant 0 : index
    %swap3A_37 = vector.load %arg5[%swap3A, %swap3A_35, %swap3A_36] : memref<1x1x2048xi32, #tpu.memory_space<vmem>>, vector<1x1x2048xi32>
    tpu.vector_store %arg5[%swap3A, %swap3A_35, %swap3A_36], %broadcast_in_dim3A_34 {strides = array<i32>} : memref<1x1x2048xi32, #tpu.memory_space<vmem>>, vector<1x1x2048xi32>,
    return
  }
  func.func @transform_0(%arg0: i32) -> (i32, i32) {
    %add3A = arith.constant 0 : i32
    %add3A_0 = arith.addi %arg0, %add3A : i32
    %c0_i32 = arith.constant 0 : i32
    %c0_i32_1 = arith.constant 0 : i32
    return %add3A_0, %c0_i32 : i32, i32
  }
  func.func @transform_1(%arg0: i32) -> (i32, i32) {
    %c0_i32 = arith.constant 0 : i32
    %c0_i32_0 = arith.constant 0 : i32
    %c0_i32_1 = arith.constant 0 : i32
    return %c0_i32, %c0_i32_0 : i32, i32
  }
  func.func @transform_2(%arg0: i32) -> (i32, i32) {
    %c0_i32 = arith.constant 0 : i32
    %c0_i32_0 = arith.constant 0 : i32
    %c0_i32_1 = arith.constant 0 : i32
    return %c0_i32, %c0_i32_0 : i32, i32
  }
  func.func @transform_3(%arg0: i32) -> (i32, i32) {
    %c0_i32 = arith.constant 0 : i32
    %c0_i32_0 = arith.constant 0 : i32
    %c0_i32_1 = arith.constant 0 : i32
    return %c0_i32, %c0_i32_0 : i32, i32
  }
  func.func @transform_4(%arg0: i32) -> (i32, i32, i32) {
    %c0_i32 = arith.constant 0 : i32
    %c0_i32_0 = arith.constant 0 : i32
    %c0_i32_1 = arith.constant 0 : i32
    return %arg0, %c0_i32, %c0_i32_0 : i32, i32, i32
  }
}

module attributes {stable_mosaic.version = 14 : i64} {
  func.func @_tc_zq_body(%arg0: i32, %arg1: memref<2048x256xf32, #tpu.memory_space<vmem>>, %arg2: memref<256x64xf32, #tpu.memory_space<vmem>>, %arg3: memref<1x64xf32, #tpu.memory_space<vmem>>, %arg4: memref<1024x64xf32, #tpu.memory_space<vmem>>, %arg5: memref<1x1x2048xi32, #tpu.memory_space<vmem>>, %arg6: memref<2048x64xf32, #tpu.memory_space<vmem>>, %arg7: memref<2048x64xf32, #tpu.memory_space<vmem>>) attributes {dimension_semantics = [#tpu.dimension_semantics<arbitrary>], iteration_bounds = array<i64: 32>, scalar_prefetch = 0 : i64, scratch_operands = 0 : i64, tpu.core_type = #tpu.core_type<tc>, window_params = [{transform_indices = @transform_0, window_bounds = array<i64: 2048, 256>}, {pipeline_mode = #tpu.pipeline_mode<synchronous>, transform_indices = @transform_1, window_bounds = array<i64: 256, 64>}, {pipeline_mode = #tpu.pipeline_mode<synchronous>, transform_indices = @transform_2, window_bounds = array<i64: 1, 64>}, {pipeline_mode = #tpu.pipeline_mode<synchronous>, transform_indices = @transform_3, window_bounds = array<i64: 1024, 64>}, {transform_indices = @transform_4, window_bounds = array<i64: 1, 1, 2048>}, {transform_indices = @transform_5, window_bounds = array<i64: 2048, 64>}, {transform_indices = @transform_6, window_bounds = array<i64: 2048, 64>}]} {
    %get3A = arith.constant 0 : index
    %get3A_0 = arith.constant 0 : index
    %get3A_1 = vector.load %arg1[%get3A, %get3A_0] : memref<2048x256xf32, #tpu.memory_space<vmem>>, vector<2048x256xf32>
    %get3A_2 = arith.constant 0 : index
    %get3A_3 = arith.constant 0 : index
    %get3A_4 = vector.load %arg2[%get3A_2, %get3A_3] : memref<256x64xf32, #tpu.memory_space<vmem>>, vector<256x64xf32>
    %get3A_5 = arith.constant 0 : index
    %get3A_6 = arith.constant 0 : index
    %get3A_7 = vector.load %arg3[%get3A_5, %get3A_6] : memref<1x64xf32, #tpu.memory_space<vmem>>, vector<1x64xf32>
    %get3A_8 = arith.constant 0 : index
    %get3A_9 = arith.constant 0 : index
    %get3A_10 = vector.load %arg4[%get3A_8, %get3A_9] : memref<1024x64xf32, #tpu.memory_space<vmem>>, vector<1024x64xf32>
    %dot_general3A = arith.constant dense<0.000000e+00> : vector<2048x64xf32>
    %dot_general3A_11 = tpu.matmul %get3A_1, %get3A_4, %dot_general3A {dimension_numbers = #tpu.dot_dimension_numbers<[1], [0], [0], [1], [0, 0, 1, 1], [], []>, transpose_lhs_hint = false} : vector<2048x256xf32>, vector<256x64xf32>, vector<2048x64xf32> -> vector<2048x64xf32>
    %add3A = vector.broadcast %get3A_7 : vector<1x64xf32> to vector<2048x64xf32>
    %add3A_12 = arith.addf %dot_general3A_11, %add3A : vector<2048x64xf32>
    %swap3A = arith.constant 0 : index
    %swap3A_13 = arith.constant 0 : index
    %swap3A_14 = vector.load %arg6[%swap3A, %swap3A_13] : memref<2048x64xf32, #tpu.memory_space<vmem>>, vector<2048x64xf32>
    tpu.vector_store %arg6[%swap3A, %swap3A_13], %add3A_12 {strides = array<i32>} : memref<2048x64xf32, #tpu.memory_space<vmem>>, vector<2048x64xf32>,
    %get3A_15 = arith.constant 0 : index
    %get3A_16 = arith.constant 0 : index
    %get3A_17 = arith.constant 0 : index
    %get3A_18 = vector.load %arg5[%get3A_15, %get3A_16, %get3A_17] : memref<1x1x2048xi32, #tpu.memory_space<vmem>>, vector<1x1x2048xi32>
    %get3A_19 = vector.shape_cast %get3A_18 : vector<1x1x2048xi32> to vector<1x2048xi32>
    %iota3A = tpu.iota {dimensions = array<i32: 0>} : vector<1024x2048xi32>
    %eq3A = vector.broadcast %get3A_19 : vector<1x2048xi32> to vector<1024x2048xi32>
    %eq3A_20 = arith.cmpi eq, %iota3A, %eq3A : vector<1024x2048xi32>
    %jit3A = arith.constant 1.000000e+00 : f32
    %jit3A_21 = arith.constant 0.000000e+00 : f32
    %broadcast_in_dim3A = vector.broadcast %jit3A : f32 to vector<1024x2048xf32>
    %broadcast_in_dim3A_22 = vector.broadcast %jit3A_21 : f32 to vector<1024x2048xf32>
    %select_n3A = arith.select %eq3A_20, %broadcast_in_dim3A, %broadcast_in_dim3A_22 : vector<1024x2048xi1>, vector<1024x2048xf32>
    %dot_general3A_23 = arith.constant dense<0.000000e+00> : vector<2048x64xf32>
    %dot_general3A_24 = tpu.matmul %select_n3A, %get3A_10, %dot_general3A_23 {dimension_numbers = #tpu.dot_dimension_numbers<[0], [0], [1], [1], [0, 1, 1, 1], [], []>, transpose_lhs_hint = false} : vector<1024x2048xf32>, vector<1024x64xf32>, vector<2048x64xf32> -> vector<2048x64xf32>
    %swap3A_25 = arith.constant 0 : index
    %swap3A_26 = arith.constant 0 : index
    %swap3A_27 = vector.load %arg7[%swap3A_25, %swap3A_26] : memref<2048x64xf32, #tpu.memory_space<vmem>>, vector<2048x64xf32>
    tpu.vector_store %arg7[%swap3A_25, %swap3A_26], %dot_general3A_24 {strides = array<i32>} : memref<2048x64xf32, #tpu.memory_space<vmem>>, vector<2048x64xf32>,
    return
  }
  func.func @transform_0(%arg0: i32) -> (i32, i32) {
    %c0_i32 = arith.constant 0 : i32
    %c0_i32_0 = arith.constant 0 : i32
    return %arg0, %c0_i32 : i32, i32
  }
  func.func @transform_1(%arg0: i32) -> (i32, i32) {
    %c0_i32 = arith.constant 0 : i32
    %c0_i32_0 = arith.constant 0 : i32
    %c0_i32_1 = arith.constant 0 : i32
    return %c0_i32, %c0_i32_0 : i32, i32
  }
  func.func @transform_2(%arg0: i32) -> (i32, i32) {
    %c0_i32 = arith.constant 0 : i32
    %c0_i32_0 = arith.constant 0 : i32
    %c0_i32_1 = arith.constant 0 : i32
    return %c0_i32, %c0_i32_0 : i32, i32
  }
  func.func @transform_3(%arg0: i32) -> (i32, i32) {
    %c0_i32 = arith.constant 0 : i32
    %c0_i32_0 = arith.constant 0 : i32
    %c0_i32_1 = arith.constant 0 : i32
    return %c0_i32, %c0_i32_0 : i32, i32
  }
  func.func @transform_4(%arg0: i32) -> (i32, i32, i32) {
    %c0_i32 = arith.constant 0 : i32
    %c0_i32_0 = arith.constant 0 : i32
    %c0_i32_1 = arith.constant 0 : i32
    return %arg0, %c0_i32, %c0_i32_0 : i32, i32, i32
  }
  func.func @transform_5(%arg0: i32) -> (i32, i32) {
    %c0_i32 = arith.constant 0 : i32
    %c0_i32_0 = arith.constant 0 : i32
    return %arg0, %c0_i32 : i32, i32
  }
  func.func @transform_6(%arg0: i32) -> (i32, i32) {
    %c0_i32 = arith.constant 0 : i32
    %c0_i32_0 = arith.constant 0 : i32
    return %arg0, %c0_i32 : i32, i32
  }
}

</mosaic_0001>

<sc_bundles>
// kernel: kernel.11.cloned.1.call-start
scs
__scs_entry_jumppad:
0x0: {  	(pc) =	sbr.rel $0x88, $3  }
0x1: {  	(tag) =	ssettag $0x0;
	lr =	simm.s32 $0x1  }
0x2: {  	[smem:$0x3F9B] =	sst lr;
	_ =	strace $0xD0000000  }
0x3: {  	_ = 	snop  }
0x4: {  	_ = 	snop  }
0x5: {  	_ = 	snop  }
0x6: {  	_ = 	snop  }
0x7: {  	_ = 	snop  }
__scs_overlays_trampoline_lowered:
0x8: {  	[smem:$0x3FAA] =	sst s0  }
0x9: {  	[smem:$0x3FAB] =	sst s1  }
0xa: {  	[smem:$0x3FAC] =	sst s2  }
0xb: {  	[smem:$0x3FAD] =	sst s3  }
0xc: {  	[smem:$0x3FAE] =	sst s4  }
0xd: {  	[smem:$0x3FAF] =	sst s5  }
0xe: {  	[smem:$0x3FB0] =	sst s6  }
0xf: {  	[smem:$0x3FB1] =	sst s7  }
0x10: {  	[smem:$0x3FB2] =	sst s8  }
0x11: {  	[smem:$0x3FB3] =	sst s9;
	s0 =	simm.s32 @!p0 $0x0  }
0x12: {  	s1 =	sld [smem:$0x3F99];
	s0 =	simm.s32 @p0 $0x1  }
0x13: {  	[smem:$0x3FB4] =	sst s0;
	s0 =	simm.s32 @!p1 $0x0  }
0x14: {  	s2 =	sld [smem:$0x3F98];
	s0 =	simm.s32 @p1 $0x1  }
0x15: {  	[smem:$0x3FB5] =	sst s0;
	s0 =	simm.s32 @!p2 $0x0  }
0x16: {  	s3 =	sld [smem:$0x3FDB];
	s0 =	simm.s32 @p2 $0x1  }
0x17: {  	s4 =	simm.s32 $0x1BF5;
	[smem:$0x3FB7] =	sst s0  }
0x18: {  	s0 =	sld [smem:$0x3F9A];
	_ =	swait.ge [sflag:s4], $0x0  }
0x19: {  	s7 =	sld [smem:$0x3F9B]  }
0x1a: {  	s8 =	sadd.s32 $0xFFFFE003, lr  }
0x1b: {  	s9 =	sadd.s32 $0xFFFFFEF7, lr;
	s5 =	simm.s32 $0xFFFFFFFF;
	p2 =	slt.u32 s8, $0xFFFFF086  }
0x1c: {  	p1 =	slt.u32 s9, $0xF7A;
	s5 =	simm.s32 @!p2 $0x0  }
0x1d: {  	s5 =	simm.s32 @p1 $0x1;
	p0 =	seq.s32 s7, s2  }
0x1e: {  	s7 =	smul.u32 @!p0 $0xF7A, s2;
	p2 =	seq.s32 @!p0 s5, $0x0  }
0x1f: {  	s9 =	smul.u32 $0xF7A, s1;
	s8 =	simm.s32 @!p0 $0x1BF5;
	p2 =	por !p2, p0  }
0x20: {  	[sflag:s8] =	ssyncset.s32 @!p0 $0xFFFFF086;
	s6 =	sadd.s32 @!p0 s3, s7;
	s7 =	simm.s32 @!p0 $0x108  }
0x21: {  	s3 =	sadd.s32 s3, s9;
	s6 =	sadd.s32 @!p0 $0x88, s6;
	s7 =	simm.s32 @p2 $0x1082  }
0x22: {  	[simem:s7], [sflag:s8] =	dma.local @!p0 [hbm:s6], $0xF7A  }
0x23: {  	s9 =	sor.u32 $0xD0000000, s2;
	s6 =	simm.s32 $0x108;
	_ =	swait.ge @!p0 [sflag:s8], $0x0  }
0x24: {  	s3 =	sadd.s32 $0x88, s3;
	s6 =	simm.s32 @!p1 $0x1082;
	[sflag:s4] =	ssyncset.s32 $0xFFFFF086  }
0x25: {  	[simem:s6], [sflag:s4] =	dma.local [hbm:s3], $0xF7A  }
0x26: {  	[smem:$0x3F9B] =	sst s1;
	(tag) =	ssettag s2;
	_ =	strace s9  }
0x27: {  	s1 =	sld [smem:$0x3FAB]  }
0x28: {  	s2 =	sld [smem:$0x3FAC]  }
0x29: {  	s4 =	sld [smem:$0x3FAE]  }
0x2a: {  	p0 =	seq.s32 s5, $0x0;
	s5 =	sld [smem:$0x3FAF]  }
0x2b: {  	s6 =	sld [smem:$0x3FB0]  }
0x2c: {  	s7 =	sld [smem:$0x3FB1]  }
0x2d: {  	s3 =	simm.s32 $0x108;
	s8 =	sld [smem:$0x3FB2]  }
0x2e: {  	s3 =	simm.s32 @!p0 $0x1082;
	s9 =	sld [smem:$0x3FB3]  }
0x2f: {  	lr =	sadd.s32 s0, s3;
	s0 =	sld [smem:$0x3FAA]  }
0x30: {  	s3 =	sld [smem:$0x3FAD]  }
0x31: {  	[smem:$0x3FB6] =	sst s10  }
0x32: {  	s10 =	sld [smem:$0x3FB4];
	_ =	sdelay $0x3  }
0x33: {  	p0 =	seq.s32 s10, $0x1;
	s10 =	sld [smem:$0x3FB6];
	_ =	sdelay $0x3  }
0x34: {  	[smem:$0x3FB6] =	sst s10  }
0x35: {  	s10 =	sld [smem:$0x3FB5];
	_ =	sdelay $0x3  }
0x36: {  	p1 =	seq.s32 s10, $0x1;
	s10 =	sld [smem:$0x3FB6];
	_ =	sdelay $0x3  }
0x37: {  	[smem:$0x3FB6] =	sst s10  }
0x38: {  	s10 =	sld [smem:$0x3FB7]  }
0x39: {  	_ = 	snop;
	(pc) =	sbr.ind lr, $3  }
0x3a: {  	_ = 	snop  }
0x3b: {  	_ = 	snop  }
0x3c: {  	p2 =	seq.s32 s10, $0x1;
	s10 =	sld [smem:$0x3FB6]  }
0x3d: {  	_ =	shalt  }
0x3e: {  	_ =	shalt  }
0x3f: {  	_ =	shalt  }
0x40: {  	_ =	shalt  }
0x41: {  	_ =	shalt  }
0x42: {  	_ =	shalt  }
0x43: {  	_ =	shalt  }
0x44: {  	_ =	shalt  }
0x45: {  	_ =	shalt  }
0x46: {  	_ =	shalt  }
0x47: {  	_ =	shalt  }
0x48: {  	_ =	shalt  }
0x49: {  	_ =	shalt  }
0x4a: {  	_ =	shalt  }
0x4b: {  	_ =	shalt  }
0x4c: {  	_ =	shalt  }
0x4d: {  	_ =	shalt  }
0x4e: {  	_ =	shalt  }
0x4f: {  	_ =	shalt  }
0x50: {  	_ =	shalt  }
0x51: {  	_ =	shalt  }
0x52: {  	_ =	shalt  }
0x53: {  	_ =	shalt  }
0x54: {  	_ =	shalt  }
0x55: {  	_ =	shalt  }
0x56: {  	_ =	shalt  }
0x57: {  	_ =	shalt  }
0x58: {  	_ =	shalt  }
0x59: {  	_ =	shalt  }
0x5a: {  	_ =	shalt  }
0x5b: {  	_ =	shalt  }
0x5c: {  	_ =	shalt  }
0x5d: {  	_ =	shalt  }
0x5e: {  	_ =	shalt  }
0x5f: {  	_ =	shalt  }
0x60: {  	_ =	shalt  }
0x61: {  	_ =	shalt  }
0x62: {  	_ =	shalt  }
0x63: {  	_ =	shalt  }
0x64: {  	_ =	shalt  }
0x65: {  	_ =	shalt  }
0x66: {  	_ =	shalt  }
0x67: {  	_ =	shalt  }
0x68: {  	_ =	shalt  }
0x69: {  	_ =	shalt  }
0x6a: {  	_ =	shalt  }
0x6b: {  	_ =	shalt  }
0x6c: {  	_ =	shalt  }
0x6d: {  	_ =	shalt  }
0x6e: {  	_ =	shalt  }
0x6f: {  	_ =	shalt  }
0x70: {  	_ =	shalt  }
0x71: {  	_ =	shalt  }
0x72: {  	_ =	shalt  }
0x73: {  	_ =	shalt  }
0x74: {  	_ =	shalt  }
0x75: {  	_ =	shalt  }
0x76: {  	_ =	shalt  }
0x77: {  	_ =	shalt  }
0x78: {  	_ =	shalt  }
0x79: {  	_ =	shalt  }
0x7a: {  	_ =	shalt  }
0x7b: {  	_ =	shalt  }
0x7c: {  	_ =	shalt  }
0x7d: {  	_ =	shalt  }
0x7e: {  	_ =	shalt  }
0x7f: {  	_ =	shalt  }
0x80: {  	_ =	shalt  }
0x81: {  	_ =	shalt  }
0x82: {  	_ =	shalt  }
0x83: {  	_ =	shalt  }
0x84: {  	_ =	shalt  }
0x85: {  	_ =	shalt  }
0x86: {  	_ =	shalt  }
0x87: {  	_ =	shalt  }
.Lfunc_end0:
.L_simem_size_0:
called_computation.1_lowered:
.L_overlay_start_0:
0x88: {  	s2 =	sld [smem:$0x3FD9]  }
0x89: {  	s3 =	sld [smem:$0x3FFE];
	_ =	sdelay $0x1  }
0x8a: {  	s1 =	srdreg.scid  }
0x8b: {  	s0 =	sand.u32 $0x1, s1  }
0x8c: {  	s16 =	sshll.u32 s0, $0xA;
	s2 =	sadd.s32 s3, s2  }
0x8d: {  	s2 =	sadd.s32 s2, s16  }
0x8e: {  	[smem:$0x3FC2] =	sst s2  }
0x8f: {  	_ = 	snop  }
0x90: {  	(tm) =	ssettm $0x1  }
0x91: {  	s17 =	sld [smem:$0x3FFB];
	_ =	sdelay $0x3  }
0x92: {  	_ =	strace s17  }
0x93: {  	s2 =	sld [smem:$0x3FFC];
	_ =	sdelay $0x3  }
0x94: {  	_ =	strace s2  }
0x95: {  	s2 =	sld [smem:$0x3FFD];
	_ =	sdelay $0x3  }
0x96: {  	_ =	strace s2  }
0x97: {  	_ =	strace $0x8FFFFFFF  }
0x98: {  	s18 =	sld [smem:$0x3FDB];
	_ =	sdelay $0x1  }
0x99: {  	s19 =	simm.s32 $_scs_section_size  }
0x9a: {  	s4 =	simm.s32 $_size__tile_overlayer_lowered;
	s5 =	simm.s32 $_tile_overlayer_lowered  }
0x9b: {  	s22 =	simm.s32 $0x1BFF;
	s21 =	sshll.u32 s5, $0x1;
	s2 =	sadd.s32 s19, s18  }
0x9c: {  	s6 =	simm.s32 $0x0;
	s20 =	sshll.u32 s4, $0x1;
	s4 =	sadd.s32 s21, s2  }
0x9d: {  	[timem:s6], [sflag:s22] =	dma.local [hbm:s4], s20  }
0x9e: {  	_ =	swait.ge [sflag:s22], s20  }
0x9f: {  	s3 =	ssub.s32 $0x0, s20;
	[sflag:s22] =	ssyncset.done $0x0  }
0xa0: {  	[sflag:s22] =	ssyncadd.s32 s3;
	_ =	sdelay $0x1  }
0xa1: {  	s23 =	simm.s32 $0x1B8B  }
0xa2: {  	_ =	swait.ge [sflag:s23], $0x1  }
0xa3: {  	[sflag:s23] =	ssyncset.done $0x0  }
0xa4: {  	s25 =	simm.s32 $0x1B8E;
	s24 =	sld [smem:$0x3FFE];
	[sflag:s23] =	ssyncadd.s32 $0xFFFFFFFF  }
0xa5: {  	s26 =	simm.s32 $execute0_lowered;
	[smem:$0x3FD2] =	sst s25  }
0xa6: {  	s4 =	sshll.u32 s26, $0x1;
	_ =	strace $0x80000046;
	[dreg:$0x1] =	wrdreg $0xFFFFFFFF  }
0xa7: {  	s28 =	simm.s32 $_size_execute0_lowered;
	s2 =	sadd.s32 s2, s4;
	[dreg:$0x0] =	wrdreg $0x0  }
0xa8: {  	s4 =	sshll.u32 s28, $0x1;
	[dreg:$0x2] =	wrdreg s2  }
0xa9: {  	[dreg:$0x3] =	wrdreg s4  }
0xaa: {  	[dreg:$0x4] =	wrdreg $0xC0  }
0xab: {  	_ =	task [dreg:s6], $0x5FFFF  }
0xac: {  	[dreg:$0x1] =	wrdreg $0xFFFFFFFF  }
0xad: {  	[dreg:$0x0] =	wrdreg $0x60  }
0xae: {  	[dreg:$0x2] =	wrdreg s24  }
0xaf: {  	[dreg:$0x3] =	wrdreg $0xA  }
0xb0: {  	_ =	task.clear_ibuf [dreg:s6], $0x4FFFF;
	_ =	strace $0x90000046  }
0xb1: {  	s29 =	simm.s32 $0xA;
	_ =	strace $0x80000048  }
0xb2: {  	_ =	swait.ge [sflag:s29], $0x1  }
0xb3: {  	[sflag:s29] =	ssyncadd.s32 $0xFFFFFFFF  }
0xb4: {  	_ =	strace $0x90000048  }
0xb5: {  	_ =	sfence  }
0xb6: {  	s30 =	sld [smem:$0x0];
	_ =	sdelay $0x2  }
0xb7: {  	s31 =	sshll.u32 s1, $0xD;
	s1 =	sshrl.u32 s1, $0x2  }
0xb8: {  	s3 =	sand.u32 $0x4000, s31;
	s1 =	sadd.s32 s1, s30  }
0xb9: {  	s0 =	sor.u32 s3, s0;
	s1 =	sshll.u32 s1, $0x11  }
0xba: {  	s0 =	sor.u32 s1, s0  }
0xbb: {  	s0 =	sadd.s32 $0x8F2B, s0  }
0xbc: {  	[sflag:s0] =	ssyncadd.remote.s32 $0x1  }
0xbd: {  	_ =	sfence.sel $0xFFFF  }
0xbe: {  	[dreg:$0x0] =	wrdreg $0xFFFFFFFF;
	(pc) =	sbr.abs _section_cstart, $3  }
0xbf: {  	[dreg:$0x1] =	wrdreg $0xFFFFFFFF  }
0xc0: {  	_ =	task.clear_ibuf [dreg:s6], $0x2FFFF;
	_ =	strace $0x9FFFFFFF  }
0xc1: {  	(tm) =	ssettm $0x7FFFFFFF  }
tec
execute0_lowered:
.L_overlay_start_1:
0x0: {  	(tag) =	ssettag $0x1  }
0x1: {  	s0 =	rddreg [dreg:$0x0]  }
0x2: {  	s1 =	srdreg.scid;
	s2 =	simm.s32 $0x0;
	s6 =	stileid.u32  }
0x3: {  	s8 =	simm.s32 $0x400;
	s20 =	simm.s32 $0x6400;
	s21 =	simm.s32 $0x6C00  }
0x4: {  	s22 =	simm.s32 $0x7400;
	s23 =	simm.s32 $0x7C00;
	s24 =	simm.s32 $0x8400  }
0x5: {  	s25 =	simm.s32 $0x8C00;
	s28 =	simm.s32 $0x9C00;
	s29 =	simm.s32 $0xA400  }
0x6: {  	s30 =	simm.s32 $0xAC00;
	s31 =	simm.s32 $0xB400;
	s9 =	simm.s32 $0xE400  }
0x7: {  	s10 =	simm.s32 $0xEC00;
	s11 =	simm.s32 $0xF400;
	s12 =	simm.s32 $0xFC00  }
0x8: {  	s13 =	simm.s32 $0x1;
	s14 =	simm.s32 $0x2;
	s15 =	simm.s32 $0x3  }
0x9: {  	s16 =	simm.s32 $0x4;
	s18 =	simm.s32 $0x0;
	s1 =	sand.u32 $0x1, s1  }
0xa: {  	[smem:$0x7FF] =	sst s2;
	s3 =	sshll.u32 s6, $0xB;
	s6 =	sshll.u32 s6, $0x10  }
0xb: {  	s4 =	sshll.u32 s1, $0xA;
	_ =	strace $0x80000047;
	s5 =	ssub.s32 $0x2, s1  }
0xc: {  	s1 =	sshll.u32 s1, $0xF;
	s4 =	sor.u32 s4, s3;
	s7 =	sshrl.u32 s5, $0x1  }
0xd: {  	s3 =	sadd.s32 $0x1800, s0;
	s4 =	sshrl.u32 s4, $0x3;
	s5 =	ssub.s32 s5, s7  }
.Ltmp0:
0xe: {  	s7 =	simm.s32 $0xDC00;
	s4 =	sadd.s32 s4, s0;
	(pc) =	sbr.rel .LBB2_1-.Ltmp0, $4  }
0xf: {  	s0 =	sadd.s32 s6, s0;
	s26 =	smax.u32 s5, $0x1;
	s5 =	simm.s32 $0xD400  }
0x10: {  	v2 =	vlaneseq.u32;
	s4 =	sadd.s32 $0x9800, s4;
	[dreg:$0x3] =	wrdreg s26;
	s0 =	sadd.s32 s1, s0  }
0x11: {  	vm0 =	vmmov $0xffff;
	v1 =	vshrl.u32 v2, $0x3;
	s26 =	simm.s32 $0x9400;
	s1 =	simm.s32 $0xC400;
	[dreg:$0x2] =	wrdreg s4  }
0x12: {  	v0 =	vand.u32 $0x7, v2;
	v2 =	vor.u32 $0x8, v2;
	v1 =	vmul.u32 $0x8, v1;
	s6 =	sadd.s32 $0xA800, s0;
	s0 =	simm.s32 $0xBC00;
	s4 =	simm.s32 $0xCC00  }
.LBB2_4:
0x13: {  	_ =	swait.ge [sflag:s16], $0x8000  }
0x14: {  	s18 =	rddreg [dreg:$0x4]  }
0x15: {  	s17 =	rddreg [dreg:$0x3];
	s18 =	sadd.s32 $0x1, s18  }
0x16: {  	p0 =	sne.s32 s18, s17  }
.Ltmp1:
0x17: {  	_ = 	snop;
	(pc) =	sbr.rel @!p0 .LBB2_5-.Ltmp1, $3  }
0x18: {  	_ =	sdelay $0x1  }
0x19: {  	[sflag:s16] =	ssyncset.done $0x0  }
0x1a: {  	[sflag:s16] =	ssyncadd.s32 $0xFFFF8000  }
.LBB2_1:
0x1b: {  	[dreg:$0x4] =	wrdreg s18  }
0x1c: {  	s17 =	rddreg [dreg:$0x2];
	s18 =	simm.s32 $0x5  }
0x1d: {  	[tilespmem:s2], [sflag:$0x5] =	stream.linear.gather [hbm4b:s17+s2], $0x400, $0x38;
	[tilespmem:$0x10400] =	vst v63  }
0x1e: {  	_ =	swait.ge [sflag:s18], $0x400  }
0x1f: {  	[sflag:s18] =	ssyncset.done $0x0  }
0x20: {  	[sflag:s18] =	ssyncadd.s32 $0xFFFFFC00  }
0x21: {  	v3 =	vld [tilespmem:$0x0];
	_ =	sdelay $0x4  }
0x22: {  	v4 =	vshll.u32 v3, $0x1  }
0x23: {  	v3 =	vand.u32 $0x7, v3;
	v4 =	vand.u32 $0xFFFFFFF0, v4  }
0x24: {  	v3 =	vor.u32 v3, v4  }
0x25: {  	v4 =	vperm.xlane v3, v0;
	_ =	sdelay $0x1  }
0x26: {  	v3 =	vperm.xlane v3, v2;
	v4 =	vadd.s32 v1, v4;
	_ =	sdelay $0x1  }
0x27: {  	v3 =	vadd.s32 v1, v3;
	_ =	sdelay $0x2  }
0x28: {  	[tilespmem:s8], [sflag:$0x1] =	stream.indirect_vreg.gather [hbm4b:s3+s2], $0x80, v4, vm0, $0xb8;
	[tilespmem:$0x10400] =	vst v63  }
0x29: {  	s19 =	simm.s32 $0xC00  }
0x2a: {  	[tilespmem:s19], [sflag:$0x1] =	stream.indirect_vreg.gather [hbm4b:s3+s2], $0x80, v3, vm0, $0xb8;
	[tilespmem:$0x10400] =	vst v63  }
0x2b: {  	v3 =	vld [tilespmem:$0x10];
	_ =	sdelay $0x4  }
0x2c: {  	v49 =	vshll.u32 v3, $0x1  }
0x2d: {  	v3 =	vand.u32 $0x7, v3;
	v4 =	vand.u32 $0xFFFFFFF0, v49  }
0x2e: {  	v3 =	vor.u32 v3, v4  }
0x2f: {  	v4 =	vperm.xlane v3, v0;
	_ =	sdelay $0x1  }
0x30: {  	v3 =	vperm.xlane v3, v2;
	v4 =	vadd.s32 v1, v4;
	_ =	sdelay $0x1  }
0x31: {  	v3 =	vadd.s32 v1, v3;
	_ =	sdelay $0x1  }
0x32: {  	s18 =	simm.s32 $0x1400  }
0x33: {  	[tilespmem:s18], [sflag:$0x1] =	stream.indirect_vreg.gather [hbm4b:s3+s2], $0x80, v4, vm0, $0xb8;
	[tilespmem:$0x10400] =	vst v63  }
0x34: {  	s19 =	simm.s32 $0x1C00  }
0x35: {  	[tilespmem:s19], [sflag:$0x1] =	stream.indirect_vreg.gather [hbm4b:s3+s2], $0x80, v3, vm0, $0xb8;
	[tilespmem:$0x10400] =	vst v63  }
0x36: {  	v3 =	vld [tilespmem:$0x20];
	_ =	sdelay $0x4  }
0x37: {  	v50 =	vshll.u32 v3, $0x1  }
0x38: {  	v3 =	vand.u32 $0x7, v3;
	v4 =	vand.u32 $0xFFFFFFF0, v50  }
0x39: {  	v3 =	vor.u32 v3, v4  }
0x3a: {  	v4 =	vperm.xlane v3, v0;
	_ =	sdelay $0x1  }
0x3b: {  	v3 =	vperm.xlane v3, v2;
	v4 =	vadd.s32 v1, v4;
	_ =	sdelay $0x1  }
0x3c: {  	v3 =	vadd.s32 v1, v3;
	_ =	sdelay $0x1  }
0x3d: {  	s18 =	simm.s32 $0x2400  }
0x3e: {  	[tilespmem:s18], [sflag:$0x1] =	stream.indirect_vreg.gather [hbm4b:s3+s2], $0x80, v4, vm0, $0xb8;
	[tilespmem:$0x10400] =	vst v63  }
0x3f: {  	s19 =	simm.s32 $0x2C00  }
0x40: {  	[tilespmem:s19], [sflag:$0x1] =	stream.indirect_vreg.gather [hbm4b:s3+s2], $0x80, v3, vm0, $0xb8;
	[tilespmem:$0x10400] =	vst v63  }
0x41: {  	v3 =	vld [tilespmem:$0x30];
	_ =	sdelay $0x4  }
0x42: {  	v51 =	vshll.u32 v3, $0x1  }
0x43: {  	v3 =	vand.u32 $0x7, v3;
	v4 =	vand.u32 $0xFFFFFFF0, v51  }
0x44: {  	v3 =	vor.u32 v3, v4  }
0x45: {  	v4 =	vperm.xlane v3, v0;
	_ =	sdelay $0x1  }
0x46: {  	v3 =	vperm.xlane v3, v2;
	v4 =	vadd.s32 v1, v4;
	_ =	sdelay $0x1  }
0x47: {  	v3 =	vadd.s32 v1, v3;
	_ =	sdelay $0x1  }
0x48: {  	s18 =	simm.s32 $0x3400  }
0x49: {  	[tilespmem:s18], [sflag:$0x1] =	stream.indirect_vreg.gather [hbm4b:s3+s2], $0x80, v4, vm0, $0xb8;
	[tilespmem:$0x10400] =	vst v63  }
0x4a: {  	s19 =	simm.s32 $0x3C00  }
0x4b: {  	[tilespmem:s19], [sflag:$0x1] =	stream.indirect_vreg.gather [hbm4b:s3+s2], $0x80, v3, vm0, $0xb8;
	[tilespmem:$0x10400] =	vst v63  }
0x4c: {  	v3 =	vld [tilespmem:$0x40];
	_ =	sdelay $0x4  }
0x4d: {  	v52 =	vshll.u32 v3, $0x1  }
0x4e: {  	v3 =	vand.u32 $0x7, v3;
	v4 =	vand.u32 $0xFFFFFFF0, v52  }
0x4f: {  	v3 =	vor.u32 v3, v4  }
0x50: {  	v4 =	vperm.xlane v3, v0;
	_ =	sdelay $0x1  }
0x51: {  	v3 =	vperm.xlane v3, v2;
	v4 =	vadd.s32 v1, v4;
	_ =	sdelay $0x1  }
0x52: {  	v3 =	vadd.s32 v1, v3;
	_ =	sdelay $0x1  }
0x53: {  	s18 =	simm.s32 $0x4400  }
0x54: {  	[tilespmem:s18], [sflag:$0x1] =	stream.indirect_vreg.gather [hbm4b:s3+s2], $0x80, v4, vm0, $0xb8;
	[tilespmem:$0x10400] =	vst v63  }
0x55: {  	s19 =	simm.s32 $0x4C00  }
0x56: {  	[tilespmem:s19], [sflag:$0x1] =	stream.indirect_vreg.gather [hbm4b:s3+s2], $0x80, v3, vm0, $0xb8;
	[tilespmem:$0x10400] =	vst v63  }
0x57: {  	v3 =	vld [tilespmem:$0x50];
	_ =	sdelay $0x4  }
0x58: {  	v53 =	vshll.u32 v3, $0x1  }
0x59: {  	v3 =	vand.u32 $0x7, v3;
	v4 =	vand.u32 $0xFFFFFFF0, v53  }
0x5a: {  	v3 =	vor.u32 v3, v4  }
0x5b: {  	v4 =	vperm.xlane v3, v0;
	_ =	sdelay $0x1  }
0x5c: {  	v3 =	vperm.xlane v3, v2;
	v4 =	vadd.s32 v1, v4;
	_ =	sdelay $0x1  }
0x5d: {  	v3 =	vadd.s32 v1, v3;
	_ =	sdelay $0x1  }
0x5e: {  	s18 =	simm.s32 $0x5400  }
0x5f: {  	[tilespmem:s18], [sflag:$0x1] =	stream.indirect_vreg.gather [hbm4b:s3+s2], $0x80, v4, vm0, $0xb8;
	[tilespmem:$0x10400] =	vst v63  }
0x60: {  	s19 =	simm.s32 $0x5C00  }
0x61: {  	[tilespmem:s19], [sflag:$0x1] =	stream.indirect_vreg.gather [hbm4b:s3+s2], $0x80, v3, vm0, $0xb8;
	[tilespmem:$0x10400] =	vst v63  }
0x62: {  	v3 =	vld [tilespmem:$0x60];
	_ =	sdelay $0x4  }
0x63: {  	v54 =	vshll.u32 v3, $0x1  }
0x64: {  	v3 =	vand.u32 $0x7, v3;
	v4 =	vand.u32 $0xFFFFFFF0, v54  }
0x65: {  	v3 =	vor.u32 v3, v4  }
0x66: {  	v4 =	vperm.xlane v3, v0;
	_ =	sdelay $0x1  }
0x67: {  	v3 =	vperm.xlane v3, v2;
	v4 =	vadd.s32 v1, v4;
	_ =	sdelay $0x1  }
0x68: {  	v3 =	vadd.s32 v1, v3;
	_ =	sdelay $0x2  }
0x69: {  	[tilespmem:s20], [sflag:$0x1] =	stream.indirect_vreg.gather [hbm4b:s3+s2], $0x80, v4, vm0, $0xb8;
	[tilespmem:$0x10400] =	vst v63  }
0x6a: {  	_ = 	snop  }
0x6b: {  	[tilespmem:s21], [sflag:$0x1] =	stream.indirect_vreg.gather [hbm4b:s3+s2], $0x80, v3, vm0, $0xb8;
	[tilespmem:$0x10400] =	vst v63  }
0x6c: {  	v3 =	vld [tilespmem:$0x70];
	_ =	sdelay $0x4  }
0x6d: {  	v55 =	vshll.u32 v3, $0x1  }
0x6e: {  	v3 =	vand.u32 $0x7, v3;
	v4 =	vand.u32 $0xFFFFFFF0, v55  }
0x6f: {  	v3 =	vor.u32 v3, v4  }
0x70: {  	v4 =	vperm.xlane v3, v0;
	_ =	sdelay $0x1  }
0x71: {  	v3 =	vperm.xlane v3, v2;
	v4 =	vadd.s32 v1, v4;
	_ =	sdelay $0x1  }
0x72: {  	v3 =	vadd.s32 v1, v3;
	_ =	sdelay $0x2  }
0x73: {  	[tilespmem:s22], [sflag:$0x1] =	stream.indirect_vreg.gather [hbm4b:s3+s2], $0x80, v4, vm0, $0xb8;
	[tilespmem:$0x10400] =	vst v63  }
0x74: {  	_ = 	snop  }
0x75: {  	[tilespmem:s23], [sflag:$0x1] =	stream.indirect_vreg.gather [hbm4b:s3+s2], $0x80, v3, vm0, $0xb8;
	[tilespmem:$0x10400] =	vst v63  }
0x76: {  	v3 =	vld [tilespmem:$0x80];
	_ =	sdelay $0x4  }
0x77: {  	v56 =	vshll.u32 v3, $0x1  }
0x78: {  	v3 =	vand.u32 $0x7, v3;
	v4 =	vand.u32 $0xFFFFFFF0, v56  }
0x79: {  	v3 =	vor.u32 v3, v4  }
0x7a: {  	v4 =	vperm.xlane v3, v0;
	_ =	sdelay $0x1  }
0x7b: {  	v3 =	vperm.xlane v3, v2;
	v4 =	vadd.s32 v1, v4;
	_ =	sdelay $0x1  }
0x7c: {  	v3 =	vadd.s32 v1, v3;
	_ =	sdelay $0x2  }
0x7d: {  	[tilespmem:s24], [sflag:$0x2] =	stream.indirect_vreg.gather [hbm4b:s3+s2], $0x80, v4, vm0, $0xb8;
	[tilespmem:$0x10400] =	vst v63  }
0x7e: {  	_ = 	snop  }
0x7f: {  	[tilespmem:s25], [sflag:$0x2] =	stream.indirect_vreg.gather [hbm4b:s3+s2], $0x80, v3, vm0, $0xb8;
	[tilespmem:$0x10400] =	vst v63  }
0x80: {  	v3 =	vld [tilespmem:$0x90];
	_ =	sdelay $0x4  }
0x81: {  	v57 =	vshll.u32 v3, $0x1  }
0x82: {  	v3 =	vand.u32 $0x7, v3;
	v4 =	vand.u32 $0xFFFFFFF0, v57  }
0x83: {  	v3 =	vor.u32 v3, v4  }
0x84: {  	v4 =	vperm.xlane v3, v0;
	_ =	sdelay $0x1  }
0x85: {  	v3 =	vperm.xlane v3, v2;
	v4 =	vadd.s32 v1, v4;
	_ =	sdelay $0x1  }
0x86: {  	v3 =	vadd.s32 v1, v3;
	_ =	sdelay $0x2  }
0x87: {  	[tilespmem:s26], [sflag:$0x2] =	stream.indirect_vreg.gather [hbm4b:s3+s2], $0x80, v4, vm0, $0xb8;
	[tilespmem:$0x10400] =	vst v63  }
0x88: {  	_ = 	snop  }
0x89: {  	[tilespmem:s28], [sflag:$0x2] =	stream.indirect_vreg.gather [hbm4b:s3+s2], $0x80, v3, vm0, $0xb8;
	[tilespmem:$0x10400] =	vst v63  }
0x8a: {  	v3 =	vld [tilespmem:$0xA0];
	_ =	sdelay $0x4  }
0x8b: {  	v58 =	vshll.u32 v3, $0x1  }
0x8c: {  	v3 =	vand.u32 $0x7, v3;
	v4 =	vand.u32 $0xFFFFFFF0, v58  }
0x8d: {  	v3 =	vor.u32 v3, v4  }
0x8e: {  	v4 =	vperm.xlane v3, v0;
	_ =	sdelay $0x1  }
0x8f: {  	v3 =	vperm.xlane v3, v2;
	v4 =	vadd.s32 v1, v4;
	_ =	sdelay $0x1  }
0x90: {  	v3 =	vadd.s32 v1, v3;
	_ =	sdelay $0x2  }
0x91: {  	[tilespmem:s29], [sflag:$0x2] =	stream.indirect_vreg.gather [hbm4b:s3+s2], $0x80, v4, vm0, $0xb8;
	[tilespmem:$0x10400] =	vst v63  }
0x92: {  	_ = 	snop  }
0x93: {  	[tilespmem:s30], [sflag:$0x2] =	stream.indirect_vreg.gather [hbm4b:s3+s2], $0x80, v3, vm0, $0xb8;
	[tilespmem:$0x10400] =	vst v63  }
0x94: {  	v3 =	vld [tilespmem:$0xB0];
	_ =	sdelay $0x4  }
0x95: {  	v59 =	vshll.u32 v3, $0x1  }
0x96: {  	v3 =	vand.u32 $0x7, v3;
	v4 =	vand.u32 $0xFFFFFFF0, v59  }
0x97: {  	v3 =	vor.u32 v3, v4  }
0x98: {  	v4 =	vperm.xlane v3, v0;
	_ =	sdelay $0x1  }
0x99: {  	v3 =	vperm.xlane v3, v2;
	v4 =	vadd.s32 v1, v4;
	_ =	sdelay $0x1  }
0x9a: {  	v3 =	vadd.s32 v1, v3;
	_ =	sdelay $0x2  }
0x9b: {  	[tilespmem:s31], [sflag:$0x2] =	stream.indirect_vreg.gather [hbm4b:s3+s2], $0x80, v4, vm0, $0xb8;
	[tilespmem:$0x10400] =	vst v63  }
0x9c: {  	_ = 	snop  }
0x9d: {  	[tilespmem:s0], [sflag:$0x2] =	stream.indirect_vreg.gather [hbm4b:s3+s2], $0x80, v3, vm0, $0xb8;
	[tilespmem:$0x10400] =	vst v63  }
0x9e: {  	v3 =	vld [tilespmem:$0xC0];
	_ =	sdelay $0x4  }
0x9f: {  	v60 =	vshll.u32 v3, $0x1  }
0xa0: {  	v3 =	vand.u32 $0x7, v3;
	v4 =	vand.u32 $0xFFFFFFF0, v60  }
0xa1: {  	v3 =	vor.u32 v3, v4  }
0xa2: {  	v4 =	vperm.xlane v3, v0;
	_ =	sdelay $0x1  }
0xa3: {  	v3 =	vperm.xlane v3, v2;
	v4 =	vadd.s32 v1, v4;
	_ =	sdelay $0x1  }
0xa4: {  	v3 =	vadd.s32 v1, v3;
	_ =	sdelay $0x2  }
0xa5: {  	[tilespmem:s1], [sflag:$0x2] =	stream.indirect_vreg.gather [hbm4b:s3+s2], $0x80, v4, vm0, $0xb8;
	[tilespmem:$0x10400] =	vst v63  }
0xa6: {  	_ = 	snop  }
0xa7: {  	[tilespmem:s4], [sflag:$0x2] =	stream.indirect_vreg.gather [hbm4b:s3+s2], $0x80, v3, vm0, $0xb8;
	[tilespmem:$0x10400] =	vst v63  }
0xa8: {  	v3 =	vld [tilespmem:$0xD0];
	_ =	sdelay $0x4  }
0xa9: {  	v61 =	vshll.u32 v3, $0x1  }
0xaa: {  	v3 =	vand.u32 $0x7, v3;
	v4 =	vand.u32 $0xFFFFFFF0, v61  }
0xab: {  	v3 =	vor.u32 v3, v4  }
0xac: {  	v4 =	vperm.xlane v3, v0;
	_ =	sdelay $0x1  }
0xad: {  	v3 =	vperm.xlane v3, v2;
	v4 =	vadd.s32 v1, v4;
	_ =	sdelay $0x1  }
0xae: {  	v3 =	vadd.s32 v1, v3;
	_ =	sdelay $0x2  }
0xaf: {  	[tilespmem:s5], [sflag:$0x2] =	stream.indirect_vreg.gather [hbm4b:s3+s2], $0x80, v4, vm0, $0xb8;
	[tilespmem:$0x10400] =	vst v63  }
0xb0: {  	_ = 	snop  }
0xb1: {  	[tilespmem:s7], [sflag:$0x2] =	stream.indirect_vreg.gather [hbm4b:s3+s2], $0x80, v3, vm0, $0xb8;
	[tilespmem:$0x10400] =	vst v63  }
0xb2: {  	v3 =	vld [tilespmem:$0xE0];
	_ =	sdelay $0x4  }
0xb3: {  	v62 =	vshll.u32 v3, $0x1  }
0xb4: {  	v3 =	vand.u32 $0x7, v3;
	v4 =	vand.u32 $0xFFFFFFF0, v62  }
0xb5: {  	v3 =	vor.u32 v3, v4  }
0xb6: {  	v4 =	vperm.xlane v3, v0;
	_ =	sdelay $0x1  }
0xb7: {  	v3 =	vperm.xlane v3, v2;
	v4 =	vadd.s32 v1, v4;
	_ =	sdelay $0x1  }
0xb8: {  	v3 =	vadd.s32 v1, v3;
	_ =	sdelay $0x2  }
0xb9: {  	[tilespmem:s9], [sflag:$0x2] =	stream.indirect_vreg.gather [hbm4b:s3+s2], $0x80, v4, vm0, $0xb8;
	[tilespmem:$0x10400] =	vst v63  }
0xba: {  	_ = 	snop  }
0xbb: {  	[tilespmem:s10], [sflag:$0x2] =	stream.indirect_vreg.gather [hbm4b:s3+s2], $0x80, v3, vm0, $0xb8;
	[tilespmem:$0x10400] =	vst v63  }
0xbc: {  	v3 =	vld [tilespmem:$0xF0];
	_ =	sdelay $0x4  }
0xbd: {  	v63 =	vshll.u32 v3, $0x1  }
0xbe: {  	v3 =	vand.u32 $0x7, v3;
	v4 =	vand.u32 $0xFFFFFFF0, v63  }
0xbf: {  	v3 =	vor.u32 v3, v4  }
0xc0: {  	v4 =	vperm.xlane v3, v0;
	_ =	sdelay $0x1  }
0xc1: {  	v3 =	vperm.xlane v3, v2;
	v4 =	vadd.s32 v1, v4;
	_ =	sdelay $0x1  }
0xc2: {  	v3 =	vadd.s32 v1, v3;
	_ =	sdelay $0x2  }
0xc3: {  	[tilespmem:s11], [sflag:$0x2] =	stream.indirect_vreg.gather [hbm4b:s3+s2], $0x80, v4, vm0, $0xb8;
	[tilespmem:$0x10400] =	vst v63  }
0xc4: {  	s17 =	simm.s32 $0x1F0;
	s18 =	simm.s32 $0x0  }
0xc5: {  	[tilespmem:s12], [sflag:$0x2] =	stream.indirect_vreg.gather [hbm4b:s3+s2], $0x80, v3, vm0, $0xb8;
	[tilespmem:$0x10400] =	vst v63  }
.LBB2_2:
0xc6: {  	_ =	swait.ge [sflag:s13], $0x8000  }
0xc7: {  	[sflag:s13] =	ssyncset.done $0x0  }
0xc8: {  	s19 =	sadd.s32 s18, s6;
	[sflag:s13] =	ssyncadd.s32 $0xFFFF8000  }
0xc9: {  	[hbm4b:s19+s2] =	stream.linear.scatter [tilespmem:s8], [sflag:$0x3], $0x8000, $0x38;
	[tilespmem:$0x10400] =	vst v63  }
0xca: {  	_ =	swait.ge [sflag:s14], $0x8000  }
0xcb: {  	p0 =	seq.s32 s18, $0x6000;
	[sflag:s14] =	ssyncset.done $0x0  }
.Ltmp2:
0xcc: {  	s19 =	sadd.s32 $0x1000, s19;
	[sflag:s14] =	ssyncadd.s32 $0xFFFF8000;
	(pc) =	sbr.rel @p0 .LBB2_4-.Ltmp2, $4  }
0xcd: {  	[hbm4b:s19+s2] =	stream.linear.scatter [tilespmem:s24], [sflag:$0x4], $0x8000, $0x38;
	[tilespmem:$0x10400] =	vst v63  }
0xce: {  	_ =	swait.ge [sflag:s15], $0x8000  }
0xcf: {  	[sflag:s15] =	ssyncset.done $0x0  }
0xd0: {  	[sflag:s15] =	ssyncadd.s32 $0xFFFF8000  }
0xd1: {  	v3 =	vld [tilespmem:s17+$0xFFFFFF10];
	_ =	sdelay $0x4  }
0xd2: {  	v4 =	vshll.u32 v3, $0x1  }
0xd3: {  	v3 =	vand.u32 $0x7, v3;
	v4 =	vand.u32 $0xFFFFFFF0, v4  }
0xd4: {  	v3 =	vor.u32 v3, v4  }
0xd5: {  	v4 =	vperm.xlane v3, v0;
	_ =	sdelay $0x1  }
0xd6: {  	v3 =	vperm.xlane v3, v2;
	v4 =	vadd.s32 v1, v4;
	_ =	sdelay $0x1  }
0xd7: {  	v3 =	vadd.s32 v1, v3;
	_ =	sdelay $0x2  }
0xd8: {  	[tilespmem:s8], [sflag:$0x1] =	stream.indirect_vreg.gather [hbm4b:s3+s2], $0x80, v4, vm0, $0xb8;
	[tilespmem:$0x10400] =	vst v63  }
0xd9: {  	s19 =	simm.s32 $0xC00  }
0xda: {  	[tilespmem:s19], [sflag:$0x1] =	stream.indirect_vreg.gather [hbm4b:s3+s2], $0x80, v3, vm0, $0xb8;
	[tilespmem:$0x10400] =	vst v63  }
0xdb: {  	v3 =	vld [tilespmem:s17+$0xFFFFFF20];
	_ =	sdelay $0x4  }
0xdc: {  	v49 =	vshll.u32 v3, $0x1  }
0xdd: {  	v3 =	vand.u32 $0x7, v3;
	v4 =	vand.u32 $0xFFFFFFF0, v49  }
0xde: {  	v3 =	vor.u32 v3, v4  }
0xdf: {  	v4 =	vperm.xlane v3, v0;
	_ =	sdelay $0x1  }
0xe0: {  	v3 =	vperm.xlane v3, v2;
	v4 =	vadd.s32 v1, v4;
	_ =	sdelay $0x1  }
0xe1: {  	v3 =	vadd.s32 v1, v3;
	_ =	sdelay $0x1  }
0xe2: {  	s19 =	simm.s32 $0x1400  }
0xe3: {  	[tilespmem:s19], [sflag:$0x1] =	stream.indirect_vreg.gather [hbm4b:s3+s2], $0x80, v4, vm0, $0xb8;
	[tilespmem:$0x10400] =	vst v63  }
0xe4: {  	s19 =	simm.s32 $0x1C00  }
0xe5: {  	[tilespmem:s19], [sflag:$0x1] =	stream.indirect_vreg.gather [hbm4b:s3+s2], $0x80, v3, vm0, $0xb8;
	[tilespmem:$0x10400] =	vst v63  }
0xe6: {  	v3 =	vld [tilespmem:s17+$0xFFFFFF30];
	_ =	sdelay $0x4  }
0xe7: {  	v50 =	vshll.u32 v3, $0x1  }
0xe8: {  	v3 =	vand.u32 $0x7, v3;
	v4 =	vand.u32 $0xFFFFFFF0, v50  }
0xe9: {  	v3 =	vor.u32 v3, v4  }
0xea: {  	v4 =	vperm.xlane v3, v0;
	_ =	sdelay $0x1  }
0xeb: {  	v3 =	vperm.xlane v3, v2;
	v4 =	vadd.s32 v1, v4;
	_ =	sdelay $0x1  }
0xec: {  	v3 =	vadd.s32 v1, v3;
	_ =	sdelay $0x1  }
0xed: {  	s19 =	simm.s32 $0x2400  }
0xee: {  	[tilespmem:s19], [sflag:$0x1] =	stream.indirect_vreg.gather [hbm4b:s3+s2], $0x80, v4, vm0, $0xb8;
	[tilespmem:$0x10400] =	vst v63  }
0xef: {  	s19 =	simm.s32 $0x2C00  }
0xf0: {  	[tilespmem:s19], [sflag:$0x1] =	stream.indirect_vreg.gather [hbm4b:s3+s2], $0x80, v3, vm0, $0xb8;
	[tilespmem:$0x10400] =	vst v63  }
0xf1: {  	v3 =	vld [tilespmem:s17+$0xFFFFFF40];
	_ =	sdelay $0x4  }
0xf2: {  	v51 =	vshll.u32 v3, $0x1  }
0xf3: {  	v3 =	vand.u32 $0x7, v3;
	v4 =	vand.u32 $0xFFFFFFF0, v51  }
0xf4: {  	v3 =	vor.u32 v3, v4  }
0xf5: {  	v4 =	vperm.xlane v3, v0;
	_ =	sdelay $0x1  }
0xf6: {  	v3 =	vperm.xlane v3, v2;
	v4 =	vadd.s32 v1, v4;
	_ =	sdelay $0x1  }
0xf7: {  	v3 =	vadd.s32 v1, v3;
	_ =	sdelay $0x1  }
0xf8: {  	s19 =	simm.s32 $0x3400  }
0xf9: {  	[tilespmem:s19], [sflag:$0x1] =	stream.indirect_vreg.gather [hbm4b:s3+s2], $0x80, v4, vm0, $0xb8;
	[tilespmem:$0x10400] =	vst v63  }
0xfa: {  	s19 =	simm.s32 $0x3C00  }
0xfb: {  	[tilespmem:s19], [sflag:$0x1] =	stream.indirect_vreg.gather [hbm4b:s3+s2], $0x80, v3, vm0, $0xb8;
	[tilespmem:$0x10400] =	vst v63  }
0xfc: {  	v3 =	vld [tilespmem:s17+$0xFFFFFF50];
	_ =	sdelay $0x4  }
0xfd: {  	v52 =	vshll.u32 v3, $0x1  }
0xfe: {  	v3 =	vand.u32 $0x7, v3;
	v4 =	vand.u32 $0xFFFFFFF0, v52  }
0xff: {  	v3 =	vor.u32 v3, v4  }
0x100: {  	v4 =	vperm.xlane v3, v0;
	_ =	sdelay $0x1  }
0x101: {  	v3 =	vperm.xlane v3, v2;
	v4 =	vadd.s32 v1, v4;
	_ =	sdelay $0x1  }
0x102: {  	v3 =	vadd.s32 v1, v3;
	_ =	sdelay $0x1  }
0x103: {  	s19 =	simm.s32 $0x4400  }
0x104: {  	[tilespmem:s19], [sflag:$0x1] =	stream.indirect_vreg.gather [hbm4b:s3+s2], $0x80, v4, vm0, $0xb8;
	[tilespmem:$0x10400] =	vst v63  }
0x105: {  	s19 =	simm.s32 $0x4C00  }
0x106: {  	[tilespmem:s19], [sflag:$0x1] =	stream.indirect_vreg.gather [hbm4b:s3+s2], $0x80, v3, vm0, $0xb8;
	[tilespmem:$0x10400] =	vst v63  }
0x107: {  	v3 =	vld [tilespmem:s17+$0xFFFFFF60];
	_ =	sdelay $0x4  }
0x108: {  	v53 =	vshll.u32 v3, $0x1  }
0x109: {  	v3 =	vand.u32 $0x7, v3;
	v4 =	vand.u32 $0xFFFFFFF0, v53  }
0x10a: {  	v3 =	vor.u32 v3, v4  }
0x10b: {  	v4 =	vperm.xlane v3, v0;
	_ =	sdelay $0x1  }
0x10c: {  	v3 =	vperm.xlane v3, v2;
	v4 =	vadd.s32 v1, v4;
	_ =	sdelay $0x1  }
0x10d: {  	v3 =	vadd.s32 v1, v3;
	_ =	sdelay $0x1  }
0x10e: {  	s19 =	simm.s32 $0x5400  }
0x10f: {  	[tilespmem:s19], [sflag:$0x1] =	stream.indirect_vreg.gather [hbm4b:s3+s2], $0x80, v4, vm0, $0xb8;
	[tilespmem:$0x10400] =	vst v63  }
0x110: {  	s19 =	simm.s32 $0x5C00  }
0x111: {  	[tilespmem:s19], [sflag:$0x1] =	stream.indirect_vreg.gather [hbm4b:s3+s2], $0x80, v3, vm0, $0xb8;
	[tilespmem:$0x10400] =	vst v63  }
0x112: {  	v3 =	vld [tilespmem:s17+$0xFFFFFF70];
	_ =	sdelay $0x4  }
0x113: {  	v54 =	vshll.u32 v3, $0x1  }
0x114: {  	v3 =	vand.u32 $0x7, v3;
	v4 =	vand.u32 $0xFFFFFFF0, v54  }
0x115: {  	v3 =	vor.u32 v3, v4  }
0x116: {  	v4 =	vperm.xlane v3, v0;
	_ =	sdelay $0x1  }
0x117: {  	v3 =	vperm.xlane v3, v2;
	v4 =	vadd.s32 v1, v4;
	_ =	sdelay $0x1  }
0x118: {  	v3 =	vadd.s32 v1, v3;
	_ =	sdelay $0x2  }
0x119: {  	[tilespmem:s20], [sflag:$0x1] =	stream.indirect_vreg.gather [hbm4b:s3+s2], $0x80, v4, vm0, $0xb8;
	[tilespmem:$0x10400] =	vst v63  }
0x11a: {  	_ = 	snop  }
0x11b: {  	[tilespmem:s21], [sflag:$0x1] =	stream.indirect_vreg.gather [hbm4b:s3+s2], $0x80, v3, vm0, $0xb8;
	[tilespmem:$0x10400] =	vst v63  }
0x11c: {  	v3 =	vld [tilespmem:s17+$0xFFFFFF80];
	_ =	sdelay $0x4  }
0x11d: {  	v55 =	vshll.u32 v3, $0x1  }
0x11e: {  	v3 =	vand.u32 $0x7, v3;
	v4 =	vand.u32 $0xFFFFFFF0, v55  }
0x11f: {  	v3 =	vor.u32 v3, v4  }
0x120: {  	v4 =	vperm.xlane v3, v0;
	_ =	sdelay $0x1  }
0x121: {  	v3 =	vperm.xlane v3, v2;
	v4 =	vadd.s32 v1, v4;
	_ =	sdelay $0x1  }
0x122: {  	v3 =	vadd.s32 v1, v3;
	_ =	sdelay $0x2  }
0x123: {  	[tilespmem:s22], [sflag:$0x1] =	stream.indirect_vreg.gather [hbm4b:s3+s2], $0x80, v4, vm0, $0xb8;
	[tilespmem:$0x10400] =	vst v63  }
0x124: {  	_ = 	snop  }
0x125: {  	[tilespmem:s23], [sflag:$0x1] =	stream.indirect_vreg.gather [hbm4b:s3+s2], $0x80, v3, vm0, $0xb8;
	[tilespmem:$0x10400] =	vst v63  }
0x126: {  	_ =	swait.ge [sflag:s16], $0x8000  }
0x127: {  	[sflag:s16] =	ssyncset.done $0x0  }
0x128: {  	[sflag:s16] =	ssyncadd.s32 $0xFFFF8000  }
0x129: {  	v3 =	vld [tilespmem:s17+$0xFFFFFF90];
	_ =	sdelay $0x4  }
0x12a: {  	v56 =	vshll.u32 v3, $0x1  }
0x12b: {  	v3 =	vand.u32 $0x7, v3;
	v4 =	vand.u32 $0xFFFFFFF0, v56  }
0x12c: {  	v3 =	vor.u32 v3, v4  }
0x12d: {  	v4 =	vperm.xlane v3, v0;
	_ =	sdelay $0x1  }
0x12e: {  	v3 =	vperm.xlane v3, v2;
	v4 =	vadd.s32 v1, v4;
	_ =	sdelay $0x1  }
0x12f: {  	v3 =	vadd.s32 v1, v3;
	_ =	sdelay $0x2  }
0x130: {  	[tilespmem:s24], [sflag:$0x2] =	stream.indirect_vreg.gather [hbm4b:s3+s2], $0x80, v4, vm0, $0xb8;
	[tilespmem:$0x10400] =	vst v63  }
0x131: {  	_ = 	snop  }
0x132: {  	[tilespmem:s25], [sflag:$0x2] =	stream.indirect_vreg.gather [hbm4b:s3+s2], $0x80, v3, vm0, $0xb8;
	[tilespmem:$0x10400] =	vst v63  }
0x133: {  	v3 =	vld [tilespmem:s17+$0xFFFFFFA0];
	_ =	sdelay $0x4  }
0x134: {  	v57 =	vshll.u32 v3, $0x1  }
0x135: {  	v3 =	vand.u32 $0x7, v3;
	v4 =	vand.u32 $0xFFFFFFF0, v57  }
0x136: {  	v3 =	vor.u32 v3, v4  }
0x137: {  	v4 =	vperm.xlane v3, v0;
	_ =	sdelay $0x1  }
0x138: {  	v3 =	vperm.xlane v3, v2;
	v4 =	vadd.s32 v1, v4;
	_ =	sdelay $0x1  }
0x139: {  	v3 =	vadd.s32 v1, v3;
	_ =	sdelay $0x2  }
0x13a: {  	[tilespmem:s26], [sflag:$0x2] =	stream.indirect_vreg.gather [hbm4b:s3+s2], $0x80, v4, vm0, $0xb8;
	[tilespmem:$0x10400] =	vst v63  }
0x13b: {  	_ = 	snop  }
0x13c: {  	[tilespmem:s28], [sflag:$0x2] =	stream.indirect_vreg.gather [hbm4b:s3+s2], $0x80, v3, vm0, $0xb8;
	[tilespmem:$0x10400] =	vst v63  }
0x13d: {  	v3 =	vld [tilespmem:s17+$0xFFFFFFB0];
	_ =	sdelay $0x4  }
0x13e: {  	v58 =	vshll.u32 v3, $0x1  }
0x13f: {  	v3 =	vand.u32 $0x7, v3;
	v4 =	vand.u32 $0xFFFFFFF0, v58  }
0x140: {  	v3 =	vor.u32 v3, v4  }
0x141: {  	v4 =	vperm.xlane v3, v0;
	_ =	sdelay $0x1  }
0x142: {  	v3 =	vperm.xlane v3, v2;
	v4 =	vadd.s32 v1, v4;
	_ =	sdelay $0x1  }
0x143: {  	v3 =	vadd.s32 v1, v3;
	_ =	sdelay $0x2  }
0x144: {  	[tilespmem:s29], [sflag:$0x2] =	stream.indirect_vreg.gather [hbm4b:s3+s2], $0x80, v4, vm0, $0xb8;
	[tilespmem:$0x10400] =	vst v63  }
0x145: {  	_ = 	snop  }
0x146: {  	[tilespmem:s30], [sflag:$0x2] =	stream.indirect_vreg.gather [hbm4b:s3+s2], $0x80, v3, vm0, $0xb8;
	[tilespmem:$0x10400] =	vst v63  }
0x147: {  	v3 =	vld [tilespmem:s17+$0xFFFFFFC0];
	_ =	sdelay $0x4  }
0x148: {  	v59 =	vshll.u32 v3, $0x1  }
0x149: {  	v3 =	vand.u32 $0x7, v3;
	v4 =	vand.u32 $0xFFFFFFF0, v59  }
0x14a: {  	v3 =	vor.u32 v3, v4  }
0x14b: {  	v4 =	vperm.xlane v3, v0;
	_ =	sdelay $0x1  }
0x14c: {  	v3 =	vperm.xlane v3, v2;
	v4 =	vadd.s32 v1, v4;
	_ =	sdelay $0x1  }
0x14d: {  	v3 =	vadd.s32 v1, v3;
	_ =	sdelay $0x2  }
0x14e: {  	[tilespmem:s31], [sflag:$0x2] =	stream.indirect_vreg.gather [hbm4b:s3+s2], $0x80, v4, vm0, $0xb8;
	[tilespmem:$0x10400] =	vst v63  }
0x14f: {  	_ = 	snop  }
0x150: {  	[tilespmem:s0], [sflag:$0x2] =	stream.indirect_vreg.gather [hbm4b:s3+s2], $0x80, v3, vm0, $0xb8;
	[tilespmem:$0x10400] =	vst v63  }
0x151: {  	v3 =	vld [tilespmem:s17+$0xFFFFFFD0];
	_ =	sdelay $0x4  }
0x152: {  	v60 =	vshll.u32 v3, $0x1  }
0x153: {  	v3 =	vand.u32 $0x7, v3;
	v4 =	vand.u32 $0xFFFFFFF0, v60  }
0x154: {  	v3 =	vor.u32 v3, v4  }
0x155: {  	v4 =	vperm.xlane v3, v0;
	_ =	sdelay $0x1  }
0x156: {  	v3 =	vperm.xlane v3, v2;
	v4 =	vadd.s32 v1, v4;
	_ =	sdelay $0x1  }
0x157: {  	v3 =	vadd.s32 v1, v3;
	_ =	sdelay $0x2  }
0x158: {  	[tilespmem:s1], [sflag:$0x2] =	stream.indirect_vreg.gather [hbm4b:s3+s2], $0x80, v4, vm0, $0xb8;
	[tilespmem:$0x10400] =	vst v63  }
0x159: {  	_ = 	snop  }
0x15a: {  	[tilespmem:s4], [sflag:$0x2] =	stream.indirect_vreg.gather [hbm4b:s3+s2], $0x80, v3, vm0, $0xb8;
	[tilespmem:$0x10400] =	vst v63  }
0x15b: {  	v3 =	vld [tilespmem:s17+$0xFFFFFFE0];
	_ =	sdelay $0x4  }
0x15c: {  	v61 =	vshll.u32 v3, $0x1  }
0x15d: {  	v3 =	vand.u32 $0x7, v3;
	v4 =	vand.u32 $0xFFFFFFF0, v61  }
0x15e: {  	v3 =	vor.u32 v3, v4  }
0x15f: {  	v4 =	vperm.xlane v3, v0;
	_ =	sdelay $0x1  }
0x160: {  	v3 =	vperm.xlane v3, v2;
	v4 =	vadd.s32 v1, v4;
	_ =	sdelay $0x1  }
0x161: {  	v3 =	vadd.s32 v1, v3;
	_ =	sdelay $0x2  }
0x162: {  	[tilespmem:s5], [sflag:$0x2] =	stream.indirect_vreg.gather [hbm4b:s3+s2], $0x80, v4, vm0, $0xb8;
	[tilespmem:$0x10400] =	vst v63  }
0x163: {  	_ = 	snop  }
0x164: {  	[tilespmem:s7], [sflag:$0x2] =	stream.indirect_vreg.gather [hbm4b:s3+s2], $0x80, v3, vm0, $0xb8;
	[tilespmem:$0x10400] =	vst v63  }
0x165: {  	v3 =	vld [tilespmem:s17+$0xFFFFFFF0];
	_ =	sdelay $0x4  }
0x166: {  	v62 =	vshll.u32 v3, $0x1  }
0x167: {  	v3 =	vand.u32 $0x7, v3;
	v4 =	vand.u32 $0xFFFFFFF0, v62  }
0x168: {  	v3 =	vor.u32 v3, v4  }
0x169: {  	v4 =	vperm.xlane v3, v0;
	_ =	sdelay $0x1  }
0x16a: {  	v3 =	vperm.xlane v3, v2;
	v4 =	vadd.s32 v1, v4;
	_ =	sdelay $0x1  }
0x16b: {  	v3 =	vadd.s32 v1, v3;
	_ =	sdelay $0x2  }
0x16c: {  	[tilespmem:s9], [sflag:$0x2] =	stream.indirect_vreg.gather [hbm4b:s3+s2], $0x80, v4, vm0, $0xb8;
	[tilespmem:$0x10400] =	vst v63  }
0x16d: {  	_ = 	snop  }
0x16e: {  	[tilespmem:s10], [sflag:$0x2] =	stream.indirect_vreg.gather [hbm4b:s3+s2], $0x80, v3, vm0, $0xb8;
	[tilespmem:$0x10400] =	vst v63  }
0x16f: {  	v3 =	vld [tilespmem:s17+$0x0];
	_ =	sdelay $0x4  }
0x170: {  	v63 =	vshll.u32 v3, $0x1  }
0x171: {  	v3 =	vand.u32 $0x7, v3;
	v4 =	vand.u32 $0xFFFFFFF0, v63  }
0x172: {  	v3 =	vor.u32 v3, v4  }
0x173: {  	v4 =	vperm.xlane v3, v0;
	_ =	sdelay $0x1  }
0x174: {  	v3 =	vperm.xlane v3, v2;
	v4 =	vadd.s32 v1, v4;
	_ =	sdelay $0x1  }
0x175: {  	v3 =	vadd.s32 v1, v3  }
.Ltmp3:
0x176: {  	_ = 	snop;
	(pc) =	sbr.rel .LBB2_2-.Ltmp3, $4  }
0x177: {  	_ = 	snop  }
0x178: {  	[tilespmem:s11], [sflag:$0x2] =	stream.indirect_vreg.gather [hbm4b:s3+s2], $0x80, v4, vm0, $0xb8;
	[tilespmem:$0x10400] =	vst v63  }
0x179: {  	s18 =	sadd.s32 $0x2000, s18;
	s17 =	sadd.s32 $0x100, s17  }
0x17a: {  	[tilespmem:s12], [sflag:$0x2] =	stream.indirect_vreg.gather [hbm4b:s3+s2], $0x80, v3, vm0, $0xb8;
	[tilespmem:$0x10400] =	vst v63  }
.LBB2_5:
0x17b: {  	_ =	sfence.sel $0x180000  }
0x17c: {  	[bflag:$0x0] =	sbarrier.arrive $0xFFFF  }
0x17d: {  	_ =	strace $0x90000047  }
0x17e: {  	s0 =	stileid.u32;
	[bflag:$0x2] =	sbarrier.arrive $0xFFFF  }
0x17f: {  	p0 =	sne.s32 s0, $0x0;
	s0 =	rddreg [dreg:$0x1]  }
0x180: {  	s0 =	sadd.s32 @!p0 $0x100000, s0  }
0x181: {  	[sflag:s0] =	ssyncadd.tile.s32 @!p0 $0x1;
	_ =	shalt  }
.Lfunc_end2:
_tile_overlayer_lowered:
.L_overlay_start_2:
0x182: {  	(tag) =	ssettag $0x2  }
0x183: {  	s0 =	rddreg [dreg:$0x0];
	s2 =	stileid.u32  }
0x184: {  	s1 =	rddreg [dreg:$0x1];
	p0 =	sne.s32 s2, $0x0  }
0x185: {  	s3 =	rddreg [dreg:$0x2];
	[bflag:$0x3] =	sbarrier.arrive $0xFFFF;
	s2 =	simm.s32 @!p0 $0x1C05  }
0x186: {  	[timem:s3], [sflag:s2] =	dma.local @!p0 [hbm:s0], s1  }
0x187: {  	s0 =	simm.s32 @!p0 $0x5  }
0x188: {  	_ =	swait.ge @!p0 [sflag:s0], s1  }
0x189: {  	s1 =	ssub.s32 @!p0 $0x0, s1;
	[sflag:s0] =	ssyncset.done @!p0 $0x0  }
0x18a: {  	[sflag:s0] =	ssyncadd.s32 @!p0 s1  }
0x18b: {  	[bflag:$0x3] =	sbarrier.arrive $0xFFFF  }
0x18c: {  	_ =	shalt  }

// kernel: kernel.8.cloned.1.call-start
scs
__scs_entry_jumppad:
0x0: {  	(pc) =	sbr.rel $0x88, $3  }
0x1: {  	(tag) =	ssettag $0x0;
	lr =	simm.s32 $0x1  }
0x2: {  	[smem:$0x3F9B] =	sst lr;
	_ =	strace $0xD0000000  }
0x3: {  	_ = 	snop  }
0x4: {  	_ = 	snop  }
0x5: {  	_ = 	snop  }
0x6: {  	_ = 	snop  }
0x7: {  	_ = 	snop  }
__scs_overlays_trampoline_lowered:
0x8: {  	[smem:$0x3FAA] =	sst s0  }
0x9: {  	[smem:$0x3FAB] =	sst s1  }
0xa: {  	[smem:$0x3FAC] =	sst s2  }
0xb: {  	[smem:$0x3FAD] =	sst s3  }
0xc: {  	[smem:$0x3FAE] =	sst s4  }
0xd: {  	[smem:$0x3FAF] =	sst s5  }
0xe: {  	[smem:$0x3FB0] =	sst s6  }
0xf: {  	[smem:$0x3FB1] =	sst s7  }
0x10: {  	[smem:$0x3FB2] =	sst s8  }
0x11: {  	[smem:$0x3FB3] =	sst s9;
	s0 =	simm.s32 @!p0 $0x0  }
0x12: {  	s1 =	sld [smem:$0x3F99];
	s0 =	simm.s32 @p0 $0x1  }
0x13: {  	[smem:$0x3FB4] =	sst s0;
	s0 =	simm.s32 @!p1 $0x0  }
0x14: {  	s2 =	sld [smem:$0x3F98];
	s0 =	simm.s32 @p1 $0x1  }
0x15: {  	[smem:$0x3FB5] =	sst s0;
	s0 =	simm.s32 @!p2 $0x0  }
0x16: {  	s3 =	sld [smem:$0x3FDB];
	s0 =	simm.s32 @p2 $0x1  }
0x17: {  	s4 =	simm.s32 $0x1BF5;
	[smem:$0x3FB7] =	sst s0  }
0x18: {  	s0 =	sld [smem:$0x3F9A];
	_ =	swait.ge [sflag:s4], $0x0  }
0x19: {  	s7 =	sld [smem:$0x3F9B]  }
0x1a: {  	s8 =	sadd.s32 $0xFFFFE003, lr  }
0x1b: {  	s9 =	sadd.s32 $0xFFFFFEF7, lr;
	s5 =	simm.s32 $0xFFFFFFFF;
	p2 =	slt.u32 s8, $0xFFFFF086  }
0x1c: {  	p1 =	slt.u32 s9, $0xF7A;
	s5 =	simm.s32 @!p2 $0x0  }
0x1d: {  	s5 =	simm.s32 @p1 $0x1;
	p0 =	seq.s32 s7, s2  }
0x1e: {  	s7 =	smul.u32 @!p0 $0xF7A, s2;
	p2 =	seq.s32 @!p0 s5, $0x0  }
0x1f: {  	s9 =	smul.u32 $0xF7A, s1;
	s8 =	simm.s32 @!p0 $0x1BF5;
	p2 =	por !p2, p0  }
0x20: {  	[sflag:s8] =	ssyncset.s32 @!p0 $0xFFFFF086;
	s6 =	sadd.s32 @!p0 s3, s7;
	s7 =	simm.s32 @!p0 $0x108  }
0x21: {  	s3 =	sadd.s32 s3, s9;
	s6 =	sadd.s32 @!p0 $0x88, s6;
	s7 =	simm.s32 @p2 $0x1082  }
0x22: {  	[simem:s7], [sflag:s8] =	dma.local @!p0 [hbm:s6], $0xF7A  }
0x23: {  	s9 =	sor.u32 $0xD0000000, s2;
	s6 =	simm.s32 $0x108;
	_ =	swait.ge @!p0 [sflag:s8], $0x0  }
0x24: {  	s3 =	sadd.s32 $0x88, s3;
	s6 =	simm.s32 @!p1 $0x1082;
	[sflag:s4] =	ssyncset.s32 $0xFFFFF086  }
0x25: {  	[simem:s6], [sflag:s4] =	dma.local [hbm:s3], $0xF7A  }
0x26: {  	[smem:$0x3F9B] =	sst s1;
	(tag) =	ssettag s2;
	_ =	strace s9  }
0x27: {  	s1 =	sld [smem:$0x3FAB]  }
0x28: {  	s2 =	sld [smem:$0x3FAC]  }
0x29: {  	s4 =	sld [smem:$0x3FAE]  }
0x2a: {  	p0 =	seq.s32 s5, $0x0;
	s5 =	sld [smem:$0x3FAF]  }
0x2b: {  	s6 =	sld [smem:$0x3FB0]  }
0x2c: {  	s7 =	sld [smem:$0x3FB1]  }
0x2d: {  	s3 =	simm.s32 $0x108;
	s8 =	sld [smem:$0x3FB2]  }
0x2e: {  	s3 =	simm.s32 @!p0 $0x1082;
	s9 =	sld [smem:$0x3FB3]  }
0x2f: {  	lr =	sadd.s32 s0, s3;
	s0 =	sld [smem:$0x3FAA]  }
0x30: {  	s3 =	sld [smem:$0x3FAD]  }
0x31: {  	[smem:$0x3FB6] =	sst s10  }
0x32: {  	s10 =	sld [smem:$0x3FB4];
	_ =	sdelay $0x3  }
0x33: {  	p0 =	seq.s32 s10, $0x1;
	s10 =	sld [smem:$0x3FB6];
	_ =	sdelay $0x3  }
0x34: {  	[smem:$0x3FB6] =	sst s10  }
0x35: {  	s10 =	sld [smem:$0x3FB5];
	_ =	sdelay $0x3  }
0x36: {  	p1 =	seq.s32 s10, $0x1;
	s10 =	sld [smem:$0x3FB6];
	_ =	sdelay $0x3  }
0x37: {  	[smem:$0x3FB6] =	sst s10  }
0x38: {  	s10 =	sld [smem:$0x3FB7]  }
0x39: {  	_ = 	snop;
	(pc) =	sbr.ind lr, $3  }
0x3a: {  	_ = 	snop  }
0x3b: {  	_ = 	snop  }
0x3c: {  	p2 =	seq.s32 s10, $0x1;
	s10 =	sld [smem:$0x3FB6]  }
0x3d: {  	_ =	shalt  }
0x3e: {  	_ =	shalt  }
0x3f: {  	_ =	shalt  }
0x40: {  	_ =	shalt  }
0x41: {  	_ =	shalt  }
0x42: {  	_ =	shalt  }
0x43: {  	_ =	shalt  }
0x44: {  	_ =	shalt  }
0x45: {  	_ =	shalt  }
0x46: {  	_ =	shalt  }
0x47: {  	_ =	shalt  }
0x48: {  	_ =	shalt  }
0x49: {  	_ =	shalt  }
0x4a: {  	_ =	shalt  }
0x4b: {  	_ =	shalt  }
0x4c: {  	_ =	shalt  }
0x4d: {  	_ =	shalt  }
0x4e: {  	_ =	shalt  }
0x4f: {  	_ =	shalt  }
0x50: {  	_ =	shalt  }
0x51: {  	_ =	shalt  }
0x52: {  	_ =	shalt  }
0x53: {  	_ =	shalt  }
0x54: {  	_ =	shalt  }
0x55: {  	_ =	shalt  }
0x56: {  	_ =	shalt  }
0x57: {  	_ =	shalt  }
0x58: {  	_ =	shalt  }
0x59: {  	_ =	shalt  }
0x5a: {  	_ =	shalt  }
0x5b: {  	_ =	shalt  }
0x5c: {  	_ =	shalt  }
0x5d: {  	_ =	shalt  }
0x5e: {  	_ =	shalt  }
0x5f: {  	_ =	shalt  }
0x60: {  	_ =	shalt  }
0x61: {  	_ =	shalt  }
0x62: {  	_ =	shalt  }
0x63: {  	_ =	shalt  }
0x64: {  	_ =	shalt  }
0x65: {  	_ =	shalt  }
0x66: {  	_ =	shalt  }
0x67: {  	_ =	shalt  }
0x68: {  	_ =	shalt  }
0x69: {  	_ =	shalt  }
0x6a: {  	_ =	shalt  }
0x6b: {  	_ =	shalt  }
0x6c: {  	_ =	shalt  }
0x6d: {  	_ =	shalt  }
0x6e: {  	_ =	shalt  }
0x6f: {  	_ =	shalt  }
0x70: {  	_ =	shalt  }
0x71: {  	_ =	shalt  }
0x72: {  	_ =	shalt  }
0x73: {  	_ =	shalt  }
0x74: {  	_ =	shalt  }
0x75: {  	_ =	shalt  }
0x76: {  	_ =	shalt  }
0x77: {  	_ =	shalt  }
0x78: {  	_ =	shalt  }
0x79: {  	_ =	shalt  }
0x7a: {  	_ =	shalt  }
0x7b: {  	_ =	shalt  }
0x7c: {  	_ =	shalt  }
0x7d: {  	_ =	shalt  }
0x7e: {  	_ =	shalt  }
0x7f: {  	_ =	shalt  }
0x80: {  	_ =	shalt  }
0x81: {  	_ =	shalt  }
0x82: {  	_ =	shalt  }
0x83: {  	_ =	shalt  }
0x84: {  	_ =	shalt  }
0x85: {  	_ =	shalt  }
0x86: {  	_ =	shalt  }
0x87: {  	_ =	shalt  }
.Lfunc_end0:
.L_simem_size_0:
called_computation_lowered:
.L_overlay_start_0:
0x88: {  	s2 =	sld [smem:$0x3FD9]  }
0x89: {  	s3 =	sld [smem:$0x3FFE];
	_ =	sdelay $0x1  }
0x8a: {  	s1 =	srdreg.scid  }
0x8b: {  	s0 =	sand.u32 $0x1, s1  }
0x8c: {  	s17 =	sshll.u32 s0, $0xA;
	s2 =	sadd.s32 s3, s2  }
0x8d: {  	s2 =	sadd.s32 s2, s17  }
0x8e: {  	[smem:$0x3FC2] =	sst s2  }
0x8f: {  	_ = 	snop  }
0x90: {  	(tm) =	ssettm $0x1  }
0x91: {  	s18 =	sld [smem:$0x3FFB];
	_ =	sdelay $0x3  }
0x92: {  	_ =	strace s18  }
0x93: {  	s2 =	sld [smem:$0x3FFC];
	_ =	sdelay $0x3  }
0x94: {  	_ =	strace s2  }
0x95: {  	s2 =	sld [smem:$0x3FFD];
	_ =	sdelay $0x3  }
0x96: {  	_ =	strace s2  }
0x97: {  	_ =	strace $0x8FFFFFFF  }
0x98: {  	s19 =	sld [smem:$0x3FDB];
	_ =	sdelay $0x1  }
0x99: {  	s20 =	simm.s32 $_scs_section_size  }
0x9a: {  	s4 =	simm.s32 $_size__tile_overlayer_lowered;
	s5 =	simm.s32 $_tile_overlayer_lowered  }
0x9b: {  	s6 =	simm.s32 $0x1BFF;
	s21 =	sshll.u32 s5, $0x1;
	s3 =	sadd.s32 s20, s19  }
0x9c: {  	s22 =	simm.s32 $0x0;
	s4 =	sshll.u32 s4, $0x1;
	s5 =	sadd.s32 s21, s3  }
0x9d: {  	[timem:s22], [sflag:s6] =	dma.local [hbm:s5], s4  }
0x9e: {  	_ =	swait.ge [sflag:s6], s4  }
0x9f: {  	s4 =	ssub.s32 $0x0, s4;
	[sflag:s6] =	ssyncset.done $0x0  }
0xa0: {  	[sflag:s6] =	ssyncadd.s32 s4;
	_ =	sdelay $0x1  }
0xa1: {  	s23 =	simm.s32 $0x1B8B  }
0xa2: {  	_ =	swait.ge [sflag:s23], $0x1  }
0xa3: {  	[sflag:s23] =	ssyncset.done $0x0  }
0xa4: {  	[sflag:s23] =	ssyncadd.s32 $0xFFFFFFFF  }
0xa5: {  	s4 =	sld [smem:$0x0]  }
0xa6: {  	s5 =	sand.u32 $0xFFFFFFFE, s1  }
0xa7: {  	p0 =	sne.s32 s1, s5  }
0xa8: {  	s5 =	sshll.u32 @p0 s5, $0xE  }
0xa9: {  	s5 =	sadd.s32 @p0 $0x11B8D, s5;
	s6 =	sshll.u32 @p0 s4, $0x11  }
0xaa: {  	s5 =	sor.u32 @p0 s6, s5  }
0xab: {  	[sflag:s5] =	ssyncadd.remote.s32 @p0 $0x1;
	_ =	sdelay $0x1  }
0xac: {  	s5 =	simm.s32 @p0 $0x1B8D  }
0xad: {  	_ =	swait.eq @p0 [sflag:s5], $0x1  }
0xae: {  	[sflag:s5] =	ssyncadd.s32 @p0 $0xFFFFFFFF  }
0xaf: {  	s6 =	sshll.u32 @!p0 s1, $0xE  }
0xb0: {  	s6 =	sor.u32 @!p0 $0x4000, s6;
	s5 =	simm.s32 @!p0 $0x1B8D  }
0xb1: {  	s4 =	sshll.u32 @!p0 s4, $0x11;
	s6 =	sadd.s32 @!p0 $0x11B8D, s6;
	_ =	swait.eq @!p0 [sflag:s5], $0x1  }
0xb2: {  	s4 =	sor.u32 @!p0 s4, s6;
	[sflag:s5] =	ssyncadd.s32 @!p0 $0xFFFFFFFF  }
0xb3: {  	s25 =	simm.s32 $0x1B8E;
	s24 =	sld [smem:$0x3FFE];
	[sflag:s4] =	ssyncadd.remote.s32 @!p0 $0x1  }
0xb4: {  	s26 =	simm.s32 $execute0_lowered;
	[smem:$0x3FD2] =	sst s25  }
0xb5: {  	s5 =	sshll.u32 s26, $0x1;
	_ =	strace $0x80000049;
	[dreg:$0x1] =	wrdreg $0xFFFFFFFF  }
0xb6: {  	s28 =	simm.s32 $_size_execute0_lowered;
	s3 =	sadd.s32 s3, s5;
	[dreg:$0x0] =	wrdreg $0x0  }
0xb7: {  	s5 =	sshll.u32 s28, $0x1;
	[dreg:$0x2] =	wrdreg s3  }
0xb8: {  	[dreg:$0x3] =	wrdreg s5  }
0xb9: {  	[dreg:$0x4] =	wrdreg $0xC0  }
0xba: {  	_ =	task [dreg:s22], $0x5FFFF  }
0xbb: {  	[dreg:$0x1] =	wrdreg $0xFFFFFFFF  }
0xbc: {  	[dreg:$0x0] =	wrdreg $0x60  }
0xbd: {  	[dreg:$0x2] =	wrdreg s24  }
0xbe: {  	[dreg:$0x3] =	wrdreg $0x9  }
0xbf: {  	_ =	task.clear_ibuf [dreg:s22], $0x4FFFF;
	_ =	strace $0x90000049  }
0xc0: {  	s29 =	simm.s32 $0x9;
	_ =	strace $0x8000004B  }
0xc1: {  	_ =	swait.ge [sflag:s29], $0x1  }
0xc2: {  	[sflag:s29] =	ssyncadd.s32 $0xFFFFFFFF  }
0xc3: {  	_ =	strace $0x9000004B  }
0xc4: {  	_ =	sfence  }
0xc5: {  	s30 =	sld [smem:$0x0];
	_ =	sdelay $0x2  }
0xc6: {  	s31 =	sshll.u32 s1, $0xD;
	s1 =	sshrl.u32 s1, $0x2  }
0xc7: {  	s4 =	sand.u32 $0x4000, s31;
	s1 =	sadd.s32 s1, s30  }
0xc8: {  	s0 =	sor.u32 s4, s0;
	s1 =	sshll.u32 s1, $0x11  }
0xc9: {  	s0 =	sor.u32 s1, s0  }
0xca: {  	s0 =	sadd.s32 $0x8F2B, s0  }
0xcb: {  	[sflag:s0] =	ssyncadd.remote.s32 $0x1  }
0xcc: {  	_ =	sfence.sel $0xFFFF  }
0xcd: {  	[dreg:$0x0] =	wrdreg $0xFFFFFFFF;
	(pc) =	sbr.abs _section_cstart, $3  }
0xce: {  	[dreg:$0x1] =	wrdreg $0xFFFFFFFF  }
0xcf: {  	_ =	task.clear_ibuf [dreg:s22], $0x2FFFF;
	_ =	strace $0x9FFFFFFF  }
0xd0: {  	(tm) =	ssettm $0x7FFFFFFF  }
0xd1: {  	_ =	shalt  }
tec
execute0_lowered:
.L_overlay_start_1:
0x0: {  	(tag) =	ssettag $0x1  }
0x1: {  	s0 =	rddreg [dreg:$0x0]  }
0x2: {  	s1 =	srdreg.scid;
	s2 =	simm.s32 $0x0;
	s6 =	stileid.u32  }
0x3: {  	s8 =	simm.s32 $0x400;
	s20 =	simm.s32 $0x6400;
	s21 =	simm.s32 $0x6C00  }
0x4: {  	s22 =	simm.s32 $0x7400;
	s23 =	simm.s32 $0x7C00;
	s24 =	simm.s32 $0x8400  }
0x5: {  	s25 =	simm.s32 $0x8C00;
	s28 =	simm.s32 $0x9C00;
	s29 =	simm.s32 $0xA400  }
0x6: {  	s30 =	simm.s32 $0xAC00;
	s31 =	simm.s32 $0xB400;
	s9 =	simm.s32 $0xE400  }
0x7: {  	s10 =	simm.s32 $0xEC00;
	s11 =	simm.s32 $0xF400;
	s12 =	simm.s32 $0xFC00  }
0x8: {  	s13 =	simm.s32 $0x1;
	s14 =	simm.s32 $0x2;
	s15 =	simm.s32 $0x3  }
0x9: {  	s16 =	simm.s32 $0x4;
	s18 =	simm.s32 $0x0;
	s1 =	sand.u32 $0x1, s1  }
0xa: {  	[smem:$0x7FF] =	sst s2;
	s3 =	sshll.u32 s6, $0xB;
	s6 =	sshll.u32 s6, $0x10  }
0xb: {  	s4 =	sshll.u32 s1, $0xA;
	_ =	strace $0x8000004A;
	s5 =	ssub.s32 $0x2, s1  }
0xc: {  	s1 =	sshll.u32 s1, $0xF;
	s4 =	sor.u32 s4, s3;
	s7 =	sshrl.u32 s5, $0x1  }
0xd: {  	s3 =	sadd.s32 $0x1800, s0;
	s4 =	sshrl.u32 s4, $0x3;
	s5 =	ssub.s32 s5, s7  }
.Ltmp0:
0xe: {  	s7 =	simm.s32 $0xDC00;
	s4 =	sadd.s32 s4, s0;
	(pc) =	sbr.rel .LBB2_1-.Ltmp0, $4  }
0xf: {  	s0 =	sadd.s32 s6, s0;
	s26 =	smax.u32 s5, $0x1;
	s5 =	simm.s32 $0xD400  }
0x10: {  	v2 =	vlaneseq.u32;
	s4 =	sadd.s32 $0x10A800, s4;
	[dreg:$0x3] =	wrdreg s26;
	s0 =	sadd.s32 s1, s0  }
0x11: {  	vm0 =	vmmov $0xffff;
	v1 =	vshrl.u32 v2, $0x3;
	s26 =	simm.s32 $0x9400;
	s1 =	simm.s32 $0xC400;
	[dreg:$0x2] =	wrdreg s4  }
0x12: {  	v0 =	vand.u32 $0x7, v2;
	v2 =	vor.u32 $0x8, v2;
	v1 =	vmul.u32 $0x8, v1;
	s6 =	sadd.s32 $0x10B800, s0;
	s0 =	simm.s32 $0xBC00;
	s4 =	simm.s32 $0xCC00  }
.LBB2_4:
0x13: {  	_ =	swait.ge [sflag:s16], $0x8000  }
0x14: {  	s18 =	rddreg [dreg:$0x4]  }
0x15: {  	s17 =	rddreg [dreg:$0x3];
	s18 =	sadd.s32 $0x1, s18  }
0x16: {  	p0 =	sne.s32 s18, s17  }
.Ltmp1:
0x17: {  	_ = 	snop;
	(pc) =	sbr.rel @!p0 .LBB2_5-.Ltmp1, $3  }
0x18: {  	_ =	sdelay $0x1  }
0x19: {  	[sflag:s16] =	ssyncset.done $0x0  }
0x1a: {  	[sflag:s16] =	ssyncadd.s32 $0xFFFF8000  }
.LBB2_1:
0x1b: {  	[dreg:$0x4] =	wrdreg s18  }
0x1c: {  	s17 =	rddreg [dreg:$0x2];
	s18 =	simm.s32 $0x5  }
0x1d: {  	[tilespmem:s2], [sflag:$0x5] =	stream.linear.gather [hbm4b:s17+s2], $0x400, $0x38;
	[tilespmem:$0x10400] =	vst v63  }
0x1e: {  	_ =	swait.ge [sflag:s18], $0x400  }
0x1f: {  	[sflag:s18] =	ssyncset.done $0x0  }
0x20: {  	[sflag:s18] =	ssyncadd.s32 $0xFFFFFC00  }
0x21: {  	v3 =	vld [tilespmem:$0x0];
	_ =	sdelay $0x4  }
0x22: {  	v4 =	vshll.u32 v3, $0x1  }
0x23: {  	v3 =	vand.u32 $0x7, v3;
	v4 =	vand.u32 $0xFFFFFFF0, v4  }
0x24: {  	v3 =	vor.u32 v3, v4  }
0x25: {  	v4 =	vperm.xlane v3, v0;
	_ =	sdelay $0x1  }
0x26: {  	v3 =	vperm.xlane v3, v2;
	v4 =	vadd.s32 v1, v4;
	_ =	sdelay $0x1  }
0x27: {  	v3 =	vadd.s32 v1, v3;
	_ =	sdelay $0x2  }
0x28: {  	[tilespmem:s8], [sflag:$0x1] =	stream.indirect_vreg.gather [hbm4b:s3+s2], $0x80, v4, vm0, $0xb8;
	[tilespmem:$0x10400] =	vst v63  }
0x29: {  	s19 =	simm.s32 $0xC00  }
0x2a: {  	[tilespmem:s19], [sflag:$0x1] =	stream.indirect_vreg.gather [hbm4b:s3+s2], $0x80, v3, vm0, $0xb8;
	[tilespmem:$0x10400] =	vst v63  }
0x2b: {  	v3 =	vld [tilespmem:$0x10];
	_ =	sdelay $0x4  }
0x2c: {  	v49 =	vshll.u32 v3, $0x1  }
0x2d: {  	v3 =	vand.u32 $0x7, v3;
	v4 =	vand.u32 $0xFFFFFFF0, v49  }
0x2e: {  	v3 =	vor.u32 v3, v4  }
0x2f: {  	v4 =	vperm.xlane v3, v0;
	_ =	sdelay $0x1  }
0x30: {  	v3 =	vperm.xlane v3, v2;
	v4 =	vadd.s32 v1, v4;
	_ =	sdelay $0x1  }
0x31: {  	v3 =	vadd.s32 v1, v3;
	_ =	sdelay $0x1  }
0x32: {  	s18 =	simm.s32 $0x1400  }
0x33: {  	[tilespmem:s18], [sflag:$0x1] =	stream.indirect_vreg.gather [hbm4b:s3+s2], $0x80, v4, vm0, $0xb8;
	[tilespmem:$0x10400] =	vst v63  }
0x34: {  	s19 =	simm.s32 $0x1C00  }
0x35: {  	[tilespmem:s19], [sflag:$0x1] =	stream.indirect_vreg.gather [hbm4b:s3+s2], $0x80, v3, vm0, $0xb8;
	[tilespmem:$0x10400] =	vst v63  }
0x36: {  	v3 =	vld [tilespmem:$0x20];
	_ =	sdelay $0x4  }
0x37: {  	v50 =	vshll.u32 v3, $0x1  }
0x38: {  	v3 =	vand.u32 $0x7, v3;
	v4 =	vand.u32 $0xFFFFFFF0, v50  }
0x39: {  	v3 =	vor.u32 v3, v4  }
0x3a: {  	v4 =	vperm.xlane v3, v0;
	_ =	sdelay $0x1  }
0x3b: {  	v3 =	vperm.xlane v3, v2;
	v4 =	vadd.s32 v1, v4;
	_ =	sdelay $0x1  }
0x3c: {  	v3 =	vadd.s32 v1, v3;
	_ =	sdelay $0x1  }
0x3d: {  	s18 =	simm.s32 $0x2400  }
0x3e: {  	[tilespmem:s18], [sflag:$0x1] =	stream.indirect_vreg.gather [hbm4b:s3+s2], $0x80, v4, vm0, $0xb8;
	[tilespmem:$0x10400] =	vst v63  }
0x3f: {  	s19 =	simm.s32 $0x2C00  }
0x40: {  	[tilespmem:s19], [sflag:$0x1] =	stream.indirect_vreg.gather [hbm4b:s3+s2], $0x80, v3, vm0, $0xb8;
	[tilespmem:$0x10400] =	vst v63  }
0x41: {  	v3 =	vld [tilespmem:$0x30];
	_ =	sdelay $0x4  }
0x42: {  	v51 =	vshll.u32 v3, $0x1  }
0x43: {  	v3 =	vand.u32 $0x7, v3;
	v4 =	vand.u32 $0xFFFFFFF0, v51  }
0x44: {  	v3 =	vor.u32 v3, v4  }
0x45: {  	v4 =	vperm.xlane v3, v0;
	_ =	sdelay $0x1  }
0x46: {  	v3 =	vperm.xlane v3, v2;
	v4 =	vadd.s32 v1, v4;
	_ =	sdelay $0x1  }
0x47: {  	v3 =	vadd.s32 v1, v3;
	_ =	sdelay $0x1  }
0x48: {  	s18 =	simm.s32 $0x3400  }
0x49: {  	[tilespmem:s18], [sflag:$0x1] =	stream.indirect_vreg.gather [hbm4b:s3+s2], $0x80, v4, vm0, $0xb8;
	[tilespmem:$0x10400] =	vst v63  }
0x4a: {  	s19 =	simm.s32 $0x3C00  }
0x4b: {  	[tilespmem:s19], [sflag:$0x1] =	stream.indirect_vreg.gather [hbm4b:s3+s2], $0x80, v3, vm0, $0xb8;
	[tilespmem:$0x10400] =	vst v63  }
0x4c: {  	v3 =	vld [tilespmem:$0x40];
	_ =	sdelay $0x4  }
0x4d: {  	v52 =	vshll.u32 v3, $0x1  }
0x4e: {  	v3 =	vand.u32 $0x7, v3;
	v4 =	vand.u32 $0xFFFFFFF0, v52  }
0x4f: {  	v3 =	vor.u32 v3, v4  }
0x50: {  	v4 =	vperm.xlane v3, v0;
	_ =	sdelay $0x1  }
0x51: {  	v3 =	vperm.xlane v3, v2;
	v4 =	vadd.s32 v1, v4;
	_ =	sdelay $0x1  }
0x52: {  	v3 =	vadd.s32 v1, v3;
	_ =	sdelay $0x1  }
0x53: {  	s18 =	simm.s32 $0x4400  }
0x54: {  	[tilespmem:s18], [sflag:$0x1] =	stream.indirect_vreg.gather [hbm4b:s3+s2], $0x80, v4, vm0, $0xb8;
	[tilespmem:$0x10400] =	vst v63  }
0x55: {  	s19 =	simm.s32 $0x4C00  }
0x56: {  	[tilespmem:s19], [sflag:$0x1] =	stream.indirect_vreg.gather [hbm4b:s3+s2], $0x80, v3, vm0, $0xb8;
	[tilespmem:$0x10400] =	vst v63  }
0x57: {  	v3 =	vld [tilespmem:$0x50];
	_ =	sdelay $0x4  }
0x58: {  	v53 =	vshll.u32 v3, $0x1  }
0x59: {  	v3 =	vand.u32 $0x7, v3;
	v4 =	vand.u32 $0xFFFFFFF0, v53  }
0x5a: {  	v3 =	vor.u32 v3, v4  }
0x5b: {  	v4 =	vperm.xlane v3, v0;
	_ =	sdelay $0x1  }
0x5c: {  	v3 =	vperm.xlane v3, v2;
	v4 =	vadd.s32 v1, v4;
	_ =	sdelay $0x1  }
0x5d: {  	v3 =	vadd.s32 v1, v3;
	_ =	sdelay $0x1  }
0x5e: {  	s18 =	simm.s32 $0x5400  }
0x5f: {  	[tilespmem:s18], [sflag:$0x1] =	stream.indirect_vreg.gather [hbm4b:s3+s2], $0x80, v4, vm0, $0xb8;
	[tilespmem:$0x10400] =	vst v63  }
0x60: {  	s19 =	simm.s32 $0x5C00  }
0x61: {  	[tilespmem:s19], [sflag:$0x1] =	stream.indirect_vreg.gather [hbm4b:s3+s2], $0x80, v3, vm0, $0xb8;
	[tilespmem:$0x10400] =	vst v63  }
0x62: {  	v3 =	vld [tilespmem:$0x60];
	_ =	sdelay $0x4  }
0x63: {  	v54 =	vshll.u32 v3, $0x1  }
0x64: {  	v3 =	vand.u32 $0x7, v3;
	v4 =	vand.u32 $0xFFFFFFF0, v54  }
0x65: {  	v3 =	vor.u32 v3, v4  }
0x66: {  	v4 =	vperm.xlane v3, v0;
	_ =	sdelay $0x1  }
0x67: {  	v3 =	vperm.xlane v3, v2;
	v4 =	vadd.s32 v1, v4;
	_ =	sdelay $0x1  }
0x68: {  	v3 =	vadd.s32 v1, v3;
	_ =	sdelay $0x2  }
0x69: {  	[tilespmem:s20], [sflag:$0x1] =	stream.indirect_vreg.gather [hbm4b:s3+s2], $0x80, v4, vm0, $0xb8;
	[tilespmem:$0x10400] =	vst v63  }
0x6a: {  	_ = 	snop  }
0x6b: {  	[tilespmem:s21], [sflag:$0x1] =	stream.indirect_vreg.gather [hbm4b:s3+s2], $0x80, v3, vm0, $0xb8;
	[tilespmem:$0x10400] =	vst v63  }
0x6c: {  	v3 =	vld [tilespmem:$0x70];
	_ =	sdelay $0x4  }
0x6d: {  	v55 =	vshll.u32 v3, $0x1  }
0x6e: {  	v3 =	vand.u32 $0x7, v3;
	v4 =	vand.u32 $0xFFFFFFF0, v55  }
0x6f: {  	v3 =	vor.u32 v3, v4  }
0x70: {  	v4 =	vperm.xlane v3, v0;
	_ =	sdelay $0x1  }
0x71: {  	v3 =	vperm.xlane v3, v2;
	v4 =	vadd.s32 v1, v4;
	_ =	sdelay $0x1  }
0x72: {  	v3 =	vadd.s32 v1, v3;
	_ =	sdelay $0x2  }
0x73: {  	[tilespmem:s22], [sflag:$0x1] =	stream.indirect_vreg.gather [hbm4b:s3+s2], $0x80, v4, vm0, $0xb8;
	[tilespmem:$0x10400] =	vst v63  }
0x74: {  	_ = 	snop  }
0x75: {  	[tilespmem:s23], [sflag:$0x1] =	stream.indirect_vreg.gather [hbm4b:s3+s2], $0x80, v3, vm0, $0xb8;
	[tilespmem:$0x10400] =	vst v63  }
0x76: {  	v3 =	vld [tilespmem:$0x80];
	_ =	sdelay $0x4  }
0x77: {  	v56 =	vshll.u32 v3, $0x1  }
0x78: {  	v3 =	vand.u32 $0x7, v3;
	v4 =	vand.u32 $0xFFFFFFF0, v56  }
0x79: {  	v3 =	vor.u32 v3, v4  }
0x7a: {  	v4 =	vperm.xlane v3, v0;
	_ =	sdelay $0x1  }
0x7b: {  	v3 =	vperm.xlane v3, v2;
	v4 =	vadd.s32 v1, v4;
	_ =	sdelay $0x1  }
0x7c: {  	v3 =	vadd.s32 v1, v3;
	_ =	sdelay $0x2  }
0x7d: {  	[tilespmem:s24], [sflag:$0x2] =	stream.indirect_vreg.gather [hbm4b:s3+s2], $0x80, v4, vm0, $0xb8;
	[tilespmem:$0x10400] =	vst v63  }
0x7e: {  	_ = 	snop  }
0x7f: {  	[tilespmem:s25], [sflag:$0x2] =	stream.indirect_vreg.gather [hbm4b:s3+s2], $0x80, v3, vm0, $0xb8;
	[tilespmem:$0x10400] =	vst v63  }
0x80: {  	v3 =	vld [tilespmem:$0x90];
	_ =	sdelay $0x4  }
0x81: {  	v57 =	vshll.u32 v3, $0x1  }
0x82: {  	v3 =	vand.u32 $0x7, v3;
	v4 =	vand.u32 $0xFFFFFFF0, v57  }
0x83: {  	v3 =	vor.u32 v3, v4  }
0x84: {  	v4 =	vperm.xlane v3, v0;
	_ =	sdelay $0x1  }
0x85: {  	v3 =	vperm.xlane v3, v2;
	v4 =	vadd.s32 v1, v4;
	_ =	sdelay $0x1  }
0x86: {  	v3 =	vadd.s32 v1, v3;
	_ =	sdelay $0x2  }
0x87: {  	[tilespmem:s26], [sflag:$0x2] =	stream.indirect_vreg.gather [hbm4b:s3+s2], $0x80, v4, vm0, $0xb8;
	[tilespmem:$0x10400] =	vst v63  }
0x88: {  	_ = 	snop  }
0x89: {  	[tilespmem:s28], [sflag:$0x2] =	stream.indirect_vreg.gather [hbm4b:s3+s2], $0x80, v3, vm0, $0xb8;
	[tilespmem:$0x10400] =	vst v63  }
0x8a: {  	v3 =	vld [tilespmem:$0xA0];
	_ =	sdelay $0x4  }
0x8b: {  	v58 =	vshll.u32 v3, $0x1  }
0x8c: {  	v3 =	vand.u32 $0x7, v3;
	v4 =	vand.u32 $0xFFFFFFF0, v58  }
0x8d: {  	v3 =	vor.u32 v3, v4  }
0x8e: {  	v4 =	vperm.xlane v3, v0;
	_ =	sdelay $0x1  }
0x8f: {  	v3 =	vperm.xlane v3, v2;
	v4 =	vadd.s32 v1, v4;
	_ =	sdelay $0x1  }
0x90: {  	v3 =	vadd.s32 v1, v3;
	_ =	sdelay $0x2  }
0x91: {  	[tilespmem:s29], [sflag:$0x2] =	stream.indirect_vreg.gather [hbm4b:s3+s2], $0x80, v4, vm0, $0xb8;
	[tilespmem:$0x10400] =	vst v63  }
0x92: {  	_ = 	snop  }
0x93: {  	[tilespmem:s30], [sflag:$0x2] =	stream.indirect_vreg.gather [hbm4b:s3+s2], $0x80, v3, vm0, $0xb8;
	[tilespmem:$0x10400] =	vst v63  }
0x94: {  	v3 =	vld [tilespmem:$0xB0];
	_ =	sdelay $0x4  }
0x95: {  	v59 =	vshll.u32 v3, $0x1  }
0x96: {  	v3 =	vand.u32 $0x7, v3;
	v4 =	vand.u32 $0xFFFFFFF0, v59  }
0x97: {  	v3 =	vor.u32 v3, v4  }
0x98: {  	v4 =	vperm.xlane v3, v0;
	_ =	sdelay $0x1  }
0x99: {  	v3 =	vperm.xlane v3, v2;
	v4 =	vadd.s32 v1, v4;
	_ =	sdelay $0x1  }
0x9a: {  	v3 =	vadd.s32 v1, v3;
	_ =	sdelay $0x2  }
0x9b: {  	[tilespmem:s31], [sflag:$0x2] =	stream.indirect_vreg.gather [hbm4b:s3+s2], $0x80, v4, vm0, $0xb8;
	[tilespmem:$0x10400] =	vst v63  }
0x9c: {  	_ = 	snop  }
0x9d: {  	[tilespmem:s0], [sflag:$0x2] =	stream.indirect_vreg.gather [hbm4b:s3+s2], $0x80, v3, vm0, $0xb8;
	[tilespmem:$0x10400] =	vst v63  }
0x9e: {  	v3 =	vld [tilespmem:$0xC0];
	_ =	sdelay $0x4  }
0x9f: {  	v60 =	vshll.u32 v3, $0x1  }
0xa0: {  	v3 =	vand.u32 $0x7, v3;
	v4 =	vand.u32 $0xFFFFFFF0, v60  }
0xa1: {  	v3 =	vor.u32 v3, v4  }
0xa2: {  	v4 =	vperm.xlane v3, v0;
	_ =	sdelay $0x1  }
0xa3: {  	v3 =	vperm.xlane v3, v2;
	v4 =	vadd.s32 v1, v4;
	_ =	sdelay $0x1  }
0xa4: {  	v3 =	vadd.s32 v1, v3;
	_ =	sdelay $0x2  }
0xa5: {  	[tilespmem:s1], [sflag:$0x2] =	stream.indirect_vreg.gather [hbm4b:s3+s2], $0x80, v4, vm0, $0xb8;
	[tilespmem:$0x10400] =	vst v63  }
0xa6: {  	_ = 	snop  }
0xa7: {  	[tilespmem:s4], [sflag:$0x2] =	stream.indirect_vreg.gather [hbm4b:s3+s2], $0x80, v3, vm0, $0xb8;
	[tilespmem:$0x10400] =	vst v63  }
0xa8: {  	v3 =	vld [tilespmem:$0xD0];
	_ =	sdelay $0x4  }
0xa9: {  	v61 =	vshll.u32 v3, $0x1  }
0xaa: {  	v3 =	vand.u32 $0x7, v3;
	v4 =	vand.u32 $0xFFFFFFF0, v61  }
0xab: {  	v3 =	vor.u32 v3, v4  }
0xac: {  	v4 =	vperm.xlane v3, v0;
	_ =	sdelay $0x1  }
0xad: {  	v3 =	vperm.xlane v3, v2;
	v4 =	vadd.s32 v1, v4;
	_ =	sdelay $0x1  }
0xae: {  	v3 =	vadd.s32 v1, v3;
	_ =	sdelay $0x2  }
0xaf: {  	[tilespmem:s5], [sflag:$0x2] =	stream.indirect_vreg.gather [hbm4b:s3+s2], $0x80, v4, vm0, $0xb8;
	[tilespmem:$0x10400] =	vst v63  }
0xb0: {  	_ = 	snop  }
0xb1: {  	[tilespmem:s7], [sflag:$0x2] =	stream.indirect_vreg.gather [hbm4b:s3+s2], $0x80, v3, vm0, $0xb8;
	[tilespmem:$0x10400] =	vst v63  }
0xb2: {  	v3 =	vld [tilespmem:$0xE0];
	_ =	sdelay $0x4  }
0xb3: {  	v62 =	vshll.u32 v3, $0x1  }
0xb4: {  	v3 =	vand.u32 $0x7, v3;
	v4 =	vand.u32 $0xFFFFFFF0, v62  }
0xb5: {  	v3 =	vor.u32 v3, v4  }
0xb6: {  	v4 =	vperm.xlane v3, v0;
	_ =	sdelay $0x1  }
0xb7: {  	v3 =	vperm.xlane v3, v2;
	v4 =	vadd.s32 v1, v4;
	_ =	sdelay $0x1  }
0xb8: {  	v3 =	vadd.s32 v1, v3;
	_ =	sdelay $0x2  }
0xb9: {  	[tilespmem:s9], [sflag:$0x2] =	stream.indirect_vreg.gather [hbm4b:s3+s2], $0x80, v4, vm0, $0xb8;
	[tilespmem:$0x10400] =	vst v63  }
0xba: {  	_ = 	snop  }
0xbb: {  	[tilespmem:s10], [sflag:$0x2] =	stream.indirect_vreg.gather [hbm4b:s3+s2], $0x80, v3, vm0, $0xb8;
	[tilespmem:$0x10400] =	vst v63  }
0xbc: {  	v3 =	vld [tilespmem:$0xF0];
	_ =	sdelay $0x4  }
0xbd: {  	v63 =	vshll.u32 v3, $0x1  }
0xbe: {  	v3 =	vand.u32 $0x7, v3;
	v4 =	vand.u32 $0xFFFFFFF0, v63  }
0xbf: {  	v3 =	vor.u32 v3, v4  }
0xc0: {  	v4 =	vperm.xlane v3, v0;
	_ =	sdelay $0x1  }
0xc1: {  	v3 =	vperm.xlane v3, v2;
	v4 =	vadd.s32 v1, v4;
	_ =	sdelay $0x1  }
0xc2: {  	v3 =	vadd.s32 v1, v3;
	_ =	sdelay $0x2  }
0xc3: {  	[tilespmem:s11], [sflag:$0x2] =	stream.indirect_vreg.gather [hbm4b:s3+s2], $0x80, v4, vm0, $0xb8;
	[tilespmem:$0x10400] =	vst v63  }
0xc4: {  	s17 =	simm.s32 $0x1F0;
	s18 =	simm.s32 $0x0  }
0xc5: {  	[tilespmem:s12], [sflag:$0x2] =	stream.indirect_vreg.gather [hbm4b:s3+s2], $0x80, v3, vm0, $0xb8;
	[tilespmem:$0x10400] =	vst v63  }
.LBB2_2:
0xc6: {  	_ =	swait.ge [sflag:s13], $0x8000  }
0xc7: {  	[sflag:s13] =	ssyncset.done $0x0  }
0xc8: {  	s19 =	sadd.s32 s18, s6;
	[sflag:s13] =	ssyncadd.s32 $0xFFFF8000  }
0xc9: {  	[hbm4b:s19+s2] =	stream.linear.scatter [tilespmem:s8], [sflag:$0x3], $0x8000, $0x38;
	[tilespmem:$0x10400] =	vst v63  }
0xca: {  	_ =	swait.ge [sflag:s14], $0x8000  }
0xcb: {  	p0 =	seq.s32 s18, $0x6000;
	[sflag:s14] =	ssyncset.done $0x0  }
.Ltmp2:
0xcc: {  	s19 =	sadd.s32 $0x1000, s19;
	[sflag:s14] =	ssyncadd.s32 $0xFFFF8000;
	(pc) =	sbr.rel @p0 .LBB2_4-.Ltmp2, $4  }
0xcd: {  	[hbm4b:s19+s2] =	stream.linear.scatter [tilespmem:s24], [sflag:$0x4], $0x8000, $0x38;
	[tilespmem:$0x10400] =	vst v63  }
0xce: {  	_ =	swait.ge [sflag:s15], $0x8000  }
0xcf: {  	[sflag:s15] =	ssyncset.done $0x0  }
0xd0: {  	[sflag:s15] =	ssyncadd.s32 $0xFFFF8000  }
0xd1: {  	v3 =	vld [tilespmem:s17+$0xFFFFFF10];
	_ =	sdelay $0x4  }
0xd2: {  	v4 =	vshll.u32 v3, $0x1  }
0xd3: {  	v3 =	vand.u32 $0x7, v3;
	v4 =	vand.u32 $0xFFFFFFF0, v4  }
0xd4: {  	v3 =	vor.u32 v3, v4  }
0xd5: {  	v4 =	vperm.xlane v3, v0;
	_ =	sdelay $0x1  }
0xd6: {  	v3 =	vperm.xlane v3, v2;
	v4 =	vadd.s32 v1, v4;
	_ =	sdelay $0x1  }
0xd7: {  	v3 =	vadd.s32 v1, v3;
	_ =	sdelay $0x2  }
0xd8: {  	[tilespmem:s8], [sflag:$0x1] =	stream.indirect_vreg.gather [hbm4b:s3+s2], $0x80, v4, vm0, $0xb8;
	[tilespmem:$0x10400] =	vst v63  }
0xd9: {  	s19 =	simm.s32 $0xC00  }
0xda: {  	[tilespmem:s19], [sflag:$0x1] =	stream.indirect_vreg.gather [hbm4b:s3+s2], $0x80, v3, vm0, $0xb8;
	[tilespmem:$0x10400] =	vst v63  }
0xdb: {  	v3 =	vld [tilespmem:s17+$0xFFFFFF20];
	_ =	sdelay $0x4  }
0xdc: {  	v49 =	vshll.u32 v3, $0x1  }
0xdd: {  	v3 =	vand.u32 $0x7, v3;
	v4 =	vand.u32 $0xFFFFFFF0, v49  }
0xde: {  	v3 =	vor.u32 v3, v4  }
0xdf: {  	v4 =	vperm.xlane v3, v0;
	_ =	sdelay $0x1  }
0xe0: {  	v3 =	vperm.xlane v3, v2;
	v4 =	vadd.s32 v1, v4;
	_ =	sdelay $0x1  }
0xe1: {  	v3 =	vadd.s32 v1, v3;
	_ =	sdelay $0x1  }
0xe2: {  	s19 =	simm.s32 $0x1400  }
0xe3: {  	[tilespmem:s19], [sflag:$0x1] =	stream.indirect_vreg.gather [hbm4b:s3+s2], $0x80, v4, vm0, $0xb8;
	[tilespmem:$0x10400] =	vst v63  }
0xe4: {  	s19 =	simm.s32 $0x1C00  }
0xe5: {  	[tilespmem:s19], [sflag:$0x1] =	stream.indirect_vreg.gather [hbm4b:s3+s2], $0x80, v3, vm0, $0xb8;
	[tilespmem:$0x10400] =	vst v63  }
0xe6: {  	v3 =	vld [tilespmem:s17+$0xFFFFFF30];
	_ =	sdelay $0x4  }
0xe7: {  	v50 =	vshll.u32 v3, $0x1  }
0xe8: {  	v3 =	vand.u32 $0x7, v3;
	v4 =	vand.u32 $0xFFFFFFF0, v50  }
0xe9: {  	v3 =	vor.u32 v3, v4  }
0xea: {  	v4 =	vperm.xlane v3, v0;
	_ =	sdelay $0x1  }
0xeb: {  	v3 =	vperm.xlane v3, v2;
	v4 =	vadd.s32 v1, v4;
	_ =	sdelay $0x1  }
0xec: {  	v3 =	vadd.s32 v1, v3;
	_ =	sdelay $0x1  }
0xed: {  	s19 =	simm.s32 $0x2400  }
0xee: {  	[tilespmem:s19], [sflag:$0x1] =	stream.indirect_vreg.gather [hbm4b:s3+s2], $0x80, v4, vm0, $0xb8;
	[tilespmem:$0x10400] =	vst v63  }
0xef: {  	s19 =	simm.s32 $0x2C00  }
0xf0: {  	[tilespmem:s19], [sflag:$0x1] =	stream.indirect_vreg.gather [hbm4b:s3+s2], $0x80, v3, vm0, $0xb8;
	[tilespmem:$0x10400] =	vst v63  }
0xf1: {  	v3 =	vld [tilespmem:s17+$0xFFFFFF40];
	_ =	sdelay $0x4  }
0xf2: {  	v51 =	vshll.u32 v3, $0x1  }
0xf3: {  	v3 =	vand.u32 $0x7, v3;
	v4 =	vand.u32 $0xFFFFFFF0, v51  }
0xf4: {  	v3 =	vor.u32 v3, v4  }
0xf5: {  	v4 =	vperm.xlane v3, v0;
	_ =	sdelay $0x1  }
0xf6: {  	v3 =	vperm.xlane v3, v2;
	v4 =	vadd.s32 v1, v4;
	_ =	sdelay $0x1  }
0xf7: {  	v3 =	vadd.s32 v1, v3;
	_ =	sdelay $0x1  }
0xf8: {  	s19 =	simm.s32 $0x3400  }
0xf9: {  	[tilespmem:s19], [sflag:$0x1] =	stream.indirect_vreg.gather [hbm4b:s3+s2], $0x80, v4, vm0, $0xb8;
	[tilespmem:$0x10400] =	vst v63  }
0xfa: {  	s19 =	simm.s32 $0x3C00  }
0xfb: {  	[tilespmem:s19], [sflag:$0x1] =	stream.indirect_vreg.gather [hbm4b:s3+s2], $0x80, v3, vm0, $0xb8;
	[tilespmem:$0x10400] =	vst v63  }
0xfc: {  	v3 =	vld [tilespmem:s17+$0xFFFFFF50];
	_ =	sdelay $0x4  }
0xfd: {  	v52 =	vshll.u32 v3, $0x1  }
0xfe: {  	v3 =	vand.u32 $0x7, v3;
	v4 =	vand.u32 $0xFFFFFFF0, v52  }
0xff: {  	v3 =	vor.u32 v3, v4  }
0x100: {  	v4 =	vperm.xlane v3, v0;
	_ =	sdelay $0x1  }
0x101: {  	v3 =	vperm.xlane v3, v2;
	v4 =	vadd.s32 v1, v4;
	_ =	sdelay $0x1  }
0x102: {  	v3 =	vadd.s32 v1, v3;
	_ =	sdelay $0x1  }
0x103: {  	s19 =	simm.s32 $0x4400  }
0x104: {  	[tilespmem:s19], [sflag:$0x1] =	stream.indirect_vreg.gather [hbm4b:s3+s2], $0x80, v4, vm0, $0xb8;
	[tilespmem:$0x10400] =	vst v63  }
0x105: {  	s19 =	simm.s32 $0x4C00  }
0x106: {  	[tilespmem:s19], [sflag:$0x1] =	stream.indirect_vreg.gather [hbm4b:s3+s2], $0x80, v3, vm0, $0xb8;
	[tilespmem:$0x10400] =	vst v63  }
0x107: {  	v3 =	vld [tilespmem:s17+$0xFFFFFF60];
	_ =	sdelay $0x4  }
0x108: {  	v53 =	vshll.u32 v3, $0x1  }
0x109: {  	v3 =	vand.u32 $0x7, v3;
	v4 =	vand.u32 $0xFFFFFFF0, v53  }
0x10a: {  	v3 =	vor.u32 v3, v4  }
0x10b: {  	v4 =	vperm.xlane v3, v0;
	_ =	sdelay $0x1  }
0x10c: {  	v3 =	vperm.xlane v3, v2;
	v4 =	vadd.s32 v1, v4;
	_ =	sdelay $0x1  }
0x10d: {  	v3 =	vadd.s32 v1, v3;
	_ =	sdelay $0x1  }
0x10e: {  	s19 =	simm.s32 $0x5400  }
0x10f: {  	[tilespmem:s19], [sflag:$0x1] =	stream.indirect_vreg.gather [hbm4b:s3+s2], $0x80, v4, vm0, $0xb8;
	[tilespmem:$0x10400] =	vst v63  }
0x110: {  	s19 =	simm.s32 $0x5C00  }
0x111: {  	[tilespmem:s19], [sflag:$0x1] =	stream.indirect_vreg.gather [hbm4b:s3+s2], $0x80, v3, vm0, $0xb8;
	[tilespmem:$0x10400] =	vst v63  }
0x112: {  	v3 =	vld [tilespmem:s17+$0xFFFFFF70];
	_ =	sdelay $0x4  }
0x113: {  	v54 =	vshll.u32 v3, $0x1  }
0x114: {  	v3 =	vand.u32 $0x7, v3;
	v4 =	vand.u32 $0xFFFFFFF0, v54  }
0x115: {  	v3 =	vor.u32 v3, v4  }
0x116: {  	v4 =	vperm.xlane v3, v0;
	_ =	sdelay $0x1  }
0x117: {  	v3 =	vperm.xlane v3, v2;
	v4 =	vadd.s32 v1, v4;
	_ =	sdelay $0x1  }
0x118: {  	v3 =	vadd.s32 v1, v3;
	_ =	sdelay $0x2  }
0x119: {  	[tilespmem:s20], [sflag:$0x1] =	stream.indirect_vreg.gather [hbm4b:s3+s2], $0x80, v4, vm0, $0xb8;
	[tilespmem:$0x10400] =	vst v63  }
0x11a: {  	_ = 	snop  }
0x11b: {  	[tilespmem:s21], [sflag:$0x1] =	stream.indirect_vreg.gather [hbm4b:s3+s2], $0x80, v3, vm0, $0xb8;
	[tilespmem:$0x10400] =	vst v63  }
0x11c: {  	v3 =	vld [tilespmem:s17+$0xFFFFFF80];
	_ =	sdelay $0x4  }
0x11d: {  	v55 =	vshll.u32 v3, $0x1  }
0x11e: {  	v3 =	vand.u32 $0x7, v3;
	v4 =	vand.u32 $0xFFFFFFF0, v55  }
0x11f: {  	v3 =	vor.u32 v3, v4  }
0x120: {  	v4 =	vperm.xlane v3, v0;
	_ =	sdelay $0x1  }
0x121: {  	v3 =	vperm.xlane v3, v2;
	v4 =	vadd.s32 v1, v4;
	_ =	sdelay $0x1  }
0x122: {  	v3 =	vadd.s32 v1, v3;
	_ =	sdelay $0x2  }
0x123: {  	[tilespmem:s22], [sflag:$0x1] =	stream.indirect_vreg.gather [hbm4b:s3+s2], $0x80, v4, vm0, $0xb8;
	[tilespmem:$0x10400] =	vst v63  }
0x124: {  	_ = 	snop  }
0x125: {  	[tilespmem:s23], [sflag:$0x1] =	stream.indirect_vreg.gather [hbm4b:s3+s2], $0x80, v3, vm0, $0xb8;
	[tilespmem:$0x10400] =	vst v63  }
0x126: {  	_ =	swait.ge [sflag:s16], $0x8000  }
0x127: {  	[sflag:s16] =	ssyncset.done $0x0  }
0x128: {  	[sflag:s16] =	ssyncadd.s32 $0xFFFF8000  }
0x129: {  	v3 =	vld [tilespmem:s17+$0xFFFFFF90];
	_ =	sdelay $0x4  }
0x12a: {  	v56 =	vshll.u32 v3, $0x1  }
0x12b: {  	v3 =	vand.u32 $0x7, v3;
	v4 =	vand.u32 $0xFFFFFFF0, v56  }
0x12c: {  	v3 =	vor.u32 v3, v4  }
0x12d: {  	v4 =	vperm.xlane v3, v0;
	_ =	sdelay $0x1  }
0x12e: {  	v3 =	vperm.xlane v3, v2;
	v4 =	vadd.s32 v1, v4;
	_ =	sdelay $0x1  }
0x12f: {  	v3 =	vadd.s32 v1, v3;
	_ =	sdelay $0x2  }
0x130: {  	[tilespmem:s24], [sflag:$0x2] =	stream.indirect_vreg.gather [hbm4b:s3+s2], $0x80, v4, vm0, $0xb8;
	[tilespmem:$0x10400] =	vst v63  }
0x131: {  	_ = 	snop  }
0x132: {  	[tilespmem:s25], [sflag:$0x2] =	stream.indirect_vreg.gather [hbm4b:s3+s2], $0x80, v3, vm0, $0xb8;
	[tilespmem:$0x10400] =	vst v63  }
0x133: {  	v3 =	vld [tilespmem:s17+$0xFFFFFFA0];
	_ =	sdelay $0x4  }
0x134: {  	v57 =	vshll.u32 v3, $0x1  }
0x135: {  	v3 =	vand.u32 $0x7, v3;
	v4 =	vand.u32 $0xFFFFFFF0, v57  }
0x136: {  	v3 =	vor.u32 v3, v4  }
0x137: {  	v4 =	vperm.xlane v3, v0;
	_ =	sdelay $0x1  }
0x138: {  	v3 =	vperm.xlane v3, v2;
	v4 =	vadd.s32 v1, v4;
	_ =	sdelay $0x1  }
0x139: {  	v3 =	vadd.s32 v1, v3;
	_ =	sdelay $0x2  }
0x13a: {  	[tilespmem:s26], [sflag:$0x2] =	stream.indirect_vreg.gather [hbm4b:s3+s2], $0x80, v4, vm0, $0xb8;
	[tilespmem:$0x10400] =	vst v63  }
0x13b: {  	_ = 	snop  }
0x13c: {  	[tilespmem:s28], [sflag:$0x2] =	stream.indirect_vreg.gather [hbm4b:s3+s2], $0x80, v3, vm0, $0xb8;
	[tilespmem:$0x10400] =	vst v63  }
0x13d: {  	v3 =	vld [tilespmem:s17+$0xFFFFFFB0];
	_ =	sdelay $0x4  }
0x13e: {  	v58 =	vshll.u32 v3, $0x1  }
0x13f: {  	v3 =	vand.u32 $0x7, v3;
	v4 =	vand.u32 $0xFFFFFFF0, v58  }
0x140: {  	v3 =	vor.u32 v3, v4  }
0x141: {  	v4 =	vperm.xlane v3, v0;
	_ =	sdelay $0x1  }
0x142: {  	v3 =	vperm.xlane v3, v2;
	v4 =	vadd.s32 v1, v4;
	_ =	sdelay $0x1  }
0x143: {  	v3 =	vadd.s32 v1, v3;
	_ =	sdelay $0x2  }
0x144: {  	[tilespmem:s29], [sflag:$0x2] =	stream.indirect_vreg.gather [hbm4b:s3+s2], $0x80, v4, vm0, $0xb8;
	[tilespmem:$0x10400] =	vst v63  }
0x145: {  	_ = 	snop  }
0x146: {  	[tilespmem:s30], [sflag:$0x2] =	stream.indirect_vreg.gather [hbm4b:s3+s2], $0x80, v3, vm0, $0xb8;
	[tilespmem:$0x10400] =	vst v63  }
0x147: {  	v3 =	vld [tilespmem:s17+$0xFFFFFFC0];
	_ =	sdelay $0x4  }
0x148: {  	v59 =	vshll.u32 v3, $0x1  }
0x149: {  	v3 =	vand.u32 $0x7, v3;
	v4 =	vand.u32 $0xFFFFFFF0, v59  }
0x14a: {  	v3 =	vor.u32 v3, v4  }
0x14b: {  	v4 =	vperm.xlane v3, v0;
	_ =	sdelay $0x1  }
0x14c: {  	v3 =	vperm.xlane v3, v2;
	v4 =	vadd.s32 v1, v4;
	_ =	sdelay $0x1  }
0x14d: {  	v3 =	vadd.s32 v1, v3;
	_ =	sdelay $0x2  }
0x14e: {  	[tilespmem:s31], [sflag:$0x2] =	stream.indirect_vreg.gather [hbm4b:s3+s2], $0x80, v4, vm0, $0xb8;
	[tilespmem:$0x10400] =	vst v63  }
0x14f: {  	_ = 	snop  }
0x150: {  	[tilespmem:s0], [sflag:$0x2] =	stream.indirect_vreg.gather [hbm4b:s3+s2], $0x80, v3, vm0, $0xb8;
	[tilespmem:$0x10400] =	vst v63  }
0x151: {  	v3 =	vld [tilespmem:s17+$0xFFFFFFD0];
	_ =	sdelay $0x4  }
0x152: {  	v60 =	vshll.u32 v3, $0x1  }
0x153: {  	v3 =	vand.u32 $0x7, v3;
	v4 =	vand.u32 $0xFFFFFFF0, v60  }
0x154: {  	v3 =	vor.u32 v3, v4  }
0x155: {  	v4 =	vperm.xlane v3, v0;
	_ =	sdelay $0x1  }
0x156: {  	v3 =	vperm.xlane v3, v2;
	v4 =	vadd.s32 v1, v4;
	_ =	sdelay $0x1  }
0x157: {  	v3 =	vadd.s32 v1, v3;
	_ =	sdelay $0x2  }
0x158: {  	[tilespmem:s1], [sflag:$0x2] =	stream.indirect_vreg.gather [hbm4b:s3+s2], $0x80, v4, vm0, $0xb8;
	[tilespmem:$0x10400] =	vst v63  }
0x159: {  	_ = 	snop  }
0x15a: {  	[tilespmem:s4], [sflag:$0x2] =	stream.indirect_vreg.gather [hbm4b:s3+s2], $0x80, v3, vm0, $0xb8;
	[tilespmem:$0x10400] =	vst v63  }
0x15b: {  	v3 =	vld [tilespmem:s17+$0xFFFFFFE0];
	_ =	sdelay $0x4  }
0x15c: {  	v61 =	vshll.u32 v3, $0x1  }
0x15d: {  	v3 =	vand.u32 $0x7, v3;
	v4 =	vand.u32 $0xFFFFFFF0, v61  }
0x15e: {  	v3 =	vor.u32 v3, v4  }
0x15f: {  	v4 =	vperm.xlane v3, v0;
	_ =	sdelay $0x1  }
0x160: {  	v3 =	vperm.xlane v3, v2;
	v4 =	vadd.s32 v1, v4;
	_ =	sdelay $0x1  }
0x161: {  	v3 =	vadd.s32 v1, v3;
	_ =	sdelay $0x2  }
0x162: {  	[tilespmem:s5], [sflag:$0x2] =	stream.indirect_vreg.gather [hbm4b:s3+s2], $0x80, v4, vm0, $0xb8;
	[tilespmem:$0x10400] =	vst v63  }
0x163: {  	_ = 	snop  }
0x164: {  	[tilespmem:s7], [sflag:$0x2] =	stream.indirect_vreg.gather [hbm4b:s3+s2], $0x80, v3, vm0, $0xb8;
	[tilespmem:$0x10400] =	vst v63  }
0x165: {  	v3 =	vld [tilespmem:s17+$0xFFFFFFF0];
	_ =	sdelay $0x4  }
0x166: {  	v62 =	vshll.u32 v3, $0x1  }
0x167: {  	v3 =	vand.u32 $0x7, v3;
	v4 =	vand.u32 $0xFFFFFFF0, v62  }
0x168: {  	v3 =	vor.u32 v3, v4  }
0x169: {  	v4 =	vperm.xlane v3, v0;
	_ =	sdelay $0x1  }
0x16a: {  	v3 =	vperm.xlane v3, v2;
	v4 =	vadd.s32 v1, v4;
	_ =	sdelay $0x1  }
0x16b: {  	v3 =	vadd.s32 v1, v3;
	_ =	sdelay $0x2  }
0x16c: {  	[tilespmem:s9], [sflag:$0x2] =	stream.indirect_vreg.gather [hbm4b:s3+s2], $0x80, v4, vm0, $0xb8;
	[tilespmem:$0x10400] =	vst v63  }
0x16d: {  	_ = 	snop  }
0x16e: {  	[tilespmem:s10], [sflag:$0x2] =	stream.indirect_vreg.gather [hbm4b:s3+s2], $0x80, v3, vm0, $0xb8;
	[tilespmem:$0x10400] =	vst v63  }
0x16f: {  	v3 =	vld [tilespmem:s17+$0x0];
	_ =	sdelay $0x4  }
0x170: {  	v63 =	vshll.u32 v3, $0x1  }
0x171: {  	v3 =	vand.u32 $0x7, v3;
	v4 =	vand.u32 $0xFFFFFFF0, v63  }
0x172: {  	v3 =	vor.u32 v3, v4  }
0x173: {  	v4 =	vperm.xlane v3, v0;
	_ =	sdelay $0x1  }
0x174: {  	v3 =	vperm.xlane v3, v2;
	v4 =	vadd.s32 v1, v4;
	_ =	sdelay $0x1  }
0x175: {  	v3 =	vadd.s32 v1, v3  }
.Ltmp3:
0x176: {  	_ = 	snop;
	(pc) =	sbr.rel .LBB2_2-.Ltmp3, $4  }
0x177: {  	_ = 	snop  }
0x178: {  	[tilespmem:s11], [sflag:$0x2] =	stream.indirect_vreg.gather [hbm4b:s3+s2], $0x80, v4, vm0, $0xb8;
	[tilespmem:$0x10400] =	vst v63  }
0x179: {  	s18 =	sadd.s32 $0x2000, s18;
	s17 =	sadd.s32 $0x100, s17  }
0x17a: {  	[tilespmem:s12], [sflag:$0x2] =	stream.indirect_vreg.gather [hbm4b:s3+s2], $0x80, v3, vm0, $0xb8;
	[tilespmem:$0x10400] =	vst v63  }
.LBB2_5:
0x17b: {  	_ =	sfence.sel $0x180000  }
0x17c: {  	[bflag:$0x0] =	sbarrier.arrive $0xFFFF  }
0x17d: {  	_ =	strace $0x9000004A  }
0x17e: {  	s0 =	stileid.u32;
	[bflag:$0x2] =	sbarrier.arrive $0xFFFF  }
0x17f: {  	p0 =	sne.s32 s0, $0x0;
	s0 =	rddreg [dreg:$0x1]  }
0x180: {  	s0 =	sadd.s32 @!p0 $0x100000, s0  }
0x181: {  	[sflag:s0] =	ssyncadd.tile.s32 @!p0 $0x1;
	_ =	shalt  }
.Lfunc_end2:
_tile_overlayer_lowered:
.L_overlay_start_2:
0x182: {  	(tag) =	ssettag $0x2  }
0x183: {  	s0 =	rddreg [dreg:$0x0];
	s2 =	stileid.u32  }
0x184: {  	s1 =	rddreg [dreg:$0x1];
	p0 =	sne.s32 s2, $0x0  }
0x185: {  	s3 =	rddreg [dreg:$0x2];
	[bflag:$0x3] =	sbarrier.arrive $0xFFFF;
	s2 =	simm.s32 @!p0 $0x1C05  }
0x186: {  	[timem:s3], [sflag:s2] =	dma.local @!p0 [hbm:s0], s1  }
0x187: {  	s0 =	simm.s32 @!p0 $0x5  }
0x188: {  	_ =	swait.ge @!p0 [sflag:s0], s1  }
0x189: {  	s1 =	ssub.s32 @!p0 $0x0, s1;
	[sflag:s0] =	ssyncset.done @!p0 $0x0  }
0x18a: {  	[sflag:s0] =	ssyncadd.s32 @!p0 s1  }
0x18b: {  	[bflag:$0x3] =	sbarrier.arrive $0xFFFF  }
0x18c: {  	_ =	shalt  }

</sc_bundles>
